<compile_context>
chip_gen: v7x
topology: tpu7x:2x2x1
jax: 0.10.2.dev20260603
libtpu: 0.0.44.dev20260713+nightly
codegen_flags: <defaults>
</compile_context>

<pallas_src>
import functools

import jax
import jax.numpy as jnp
from jax import lax
from jax.experimental import pallas as pl
from jax.experimental.pallas import tpu as pltpu
from jax.experimental.pallas import tpu_sc as plsc

_NC = 2
_NS = 16
_NW = _NC * _NS
_CH = 128
_LB = 5120
_UC = 128



def _sc_gather_body(w_hbm, val_hbm, out_hbm, w_v, rows_v, gsem):
    wid = lax.axis_index("s") * _NC + lax.axis_index("c")
    k, ch = w_v.shape
    pltpu.sync_copy(w_hbm.at[wid], w_v)
    descs = []
    for j in range(k):
        rows_j = rows_v.at[pl.ds(j * ch, ch)]
        descs.append(pltpu.async_copy(val_hbm.at[w_v.at[j]], rows_j, gsem))
    for d in descs:
        d.wait()
    base = wid * (k * ch)
    pltpu.sync_copy(rows_v, out_hbm.at[pl.ds(base, k * ch)])


def _sc_gather(w3, val):
    _, k, ch = w3.shape
    b, d = val.shape
    mesh = plsc.VectorSubcoreMesh(
        core_axis_name="c", subcore_axis_name="s",
        num_cores=_NC, num_subcores=_NS)
    return pl.kernel(
        _sc_gather_body,
        out_type=jax.ShapeDtypeStruct((b, d), jnp.float32),
        mesh=mesh,
        scratch_types=[
            pltpu.VMEM((k, ch), jnp.int32),
            pltpu.VMEM((k * ch, d), jnp.float32),
            pltpu.SemaphoreType.DMA,
        ],
        compiler_params=pltpu.CompilerParams(use_tc_tiling_on_sc=False),
    )(w3, val)



def _tc_body(lo_ref, hi_ref, memT_ref, s3_ref, v3_ref, out_ref):
    i = pl.program_id(0)
    lo = lo_ref[i]
    hi = hi_ref[i]
    out_ref[...] = memT_ref[...]
    c0 = lo // _UC
    n = (hi + _UC - 1) // _UC - c0
    iota2 = lax.broadcasted_iota(jnp.int32, (_LB, _UC), 0) + i * _LB

    def chunk_body(t, carry):
        c = c0 + t
        s_row = s3_ref[pl.ds(c, 1)].reshape(1, _UC)
        v_chunk = v3_ref[pl.ds(c, 1)].reshape(64, _UC)
        eq = iota2 == jnp.broadcast_to(s_row, (_LB, _UC))
        p = eq.astype(jnp.bfloat16)
        vs_aug = jnp.concatenate(
            [v_chunk, jnp.ones((1, _UC), jnp.float32)], axis=0)
        a1 = vs_aug.astype(jnp.bfloat16)
        a2 = (vs_aug - a1.astype(jnp.float32)).astype(jnp.bfloat16)
        dn = (((1,), (1,)), ((), ()))
        u_aug = (lax.dot_general(a2, p, dn, preferred_element_type=jnp.float32)
                 + lax.dot_general(a1, p, dn,
                                   preferred_element_type=jnp.float32))
        m = u_aug[64:65, :]
        u = u_aug[0:64, :]
        out_ref[...] = jnp.where(m > 0.5, u, out_ref[...])
        return carry

    lax.fori_loop(0, n, chunk_body, 0)


def _tc_copy_scatter(memT, s3, v3, lo, hi):
    d, m = memT.shape
    nb = pl.cdiv(m, _LB)
    nch = s3.shape[0]
    grid_spec = pltpu.PrefetchScalarGridSpec(
        num_scalar_prefetch=2,
        grid=(nb,),
        in_specs=[
            pl.BlockSpec((d, _LB), lambda i, lo, hi: (0, i)),
            pl.BlockSpec((nch, 1, _UC), lambda i, lo, hi: (0, 0, 0)),
            pl.BlockSpec((nch, d, _UC), lambda i, lo, hi: (0, 0, 0)),
        ],
        out_specs=pl.BlockSpec((d, _LB), lambda i, lo, hi: (0, i)),
    )
    return pl.pallas_call(
        _tc_body,
        grid_spec=grid_spec,
        out_shape=jax.ShapeDtypeStruct((d, m), jnp.float32),
        compiler_params=pltpu.CompilerParams(
            dimension_semantics=("parallel",),
        ),
    )(lo, hi, memT, s3, v3)



def _winner_sources(idx):
    b = idx.shape[0]
    perm = jnp.argsort(idx, stable=True).astype(jnp.int32)
    s = idx[perm]
    is_last = jnp.concatenate([s[1:] != s[:-1], jnp.ones((1,), jnp.bool_)])
    pos = jnp.arange(b, dtype=jnp.int32)
    end = jnp.flip(lax.cummin(jnp.flip(jnp.where(is_last, pos, jnp.int32(b)))))
    w = perm[end]
    s_eff = jnp.where(is_last, s, jnp.int32(-1))
    return s, s_eff, w



def kernel(mem, idx, val):
    m, d = mem.shape
    b = idx.shape[0]
    k = b // (_NW * _CH)
    nch = b // _UC
    s, s_eff, w = _winner_sources(idx)
    val_s = _sc_gather(w.reshape(_NW, k, _CH), val)
    v3 = val_s.reshape(nch, _UC, d).transpose(0, 2, 1)
    s3 = s_eff.reshape(nch, 1, _UC)
    nb = pl.cdiv(m, _LB)
    bounds = jnp.arange(nb + 1, dtype=jnp.int32) * _LB
    ss = jnp.searchsorted(s, bounds, side="left").astype(jnp.int32)
    lo, hi = ss[:-1], ss[1:]
    outT = _tc_copy_scatter(mem.T, s3, v3, lo, hi)
    return outT.T

# --- scband reference (transcript-rebuilt; emitter-appended) ---
"""Pipeline reference for scband-array-lens-83648783057240 (READ-ONLY COPY).

The authoritative reference and input builder live on the scoring server;
editing this copy changes nothing except your own understanding.
"""

import jax, jax.numpy as jnp
import numpy as np


def setup_inputs(seed: int = 0) -> dict:
    key = jax.random.key(seed)
    k1, k2, k3 = jax.random.split(key, 3)
    M, d, B = 1000000, 64, 16384
    mem = jax.random.normal(k1, (M, d), dtype=jnp.float32)
    idx = jax.random.randint(k2, (B,), 0, M, dtype=jnp.int32)
    val = jax.random.normal(k3, (B, d), dtype=jnp.float32)
    return {"mem": mem, "idx": idx, "val": val}


def reference(mem, idx, val):
    # ArrayLens.set: the lens focuses on rows `idx` of the underlying array
    # (here `mem` plays the role of lens.get()). set(val) performs a
    # scatter-overwrite of `val` into those rows and returns the updated
    # whole object (the new memory array), exactly mirroring
    # lens.apply(lambda arr: arr.at[index].set(val)).
    new_mem = mem.at[idx].set(val)
    return new_mem

if __name__ == "__main__":
    import jax
    _d = setup_inputs()
    print(jax.jit(kernel)(*tuple(_d.values())))

</pallas_src>

<mosaic_0001>
#map = affine_map<(d0, d1) -> (0, 0, 0)>
#map1 = affine_map<(d0, d1) -> (0, 0)>
module attributes {stable_mosaic.version = 14 : i64} {
  func.func @_sc_gather_body(%arg0: i32, %arg1: i32, %arg2: memref<32x4x128xi32, #tpu.memory_space<hbm>>, %arg3: memref<16384x64xf32, #tpu.memory_space<hbm>>, %arg4: memref<16384x64xf32, #tpu.memory_space<hbm>>, %arg5: memref<4x128xi32, #tpu.memory_space<vmem>>, %arg6: memref<512x64xf32, #tpu.memory_space<vmem>>, %arg7: memref<!tpu.dma_semaphore, #tpu.memory_space<semaphore_mem>>) attributes {dimension_semantics = [#tpu.dimension_semantics<core_parallel>, #tpu.dimension_semantics<subcore_parallel>], iteration_bounds = array<i64: 2, 16>, scalar_prefetch = 0 : i64, scratch_operands = 3 : i64, tpu.core_type = #tpu.core_type<sc_vector_subcore>, window_params = [{transform_indices = #map}, {transform_indices = #map1}, {transform_indices = #map1}]} {
    %mul3A = arith.constant 2 : i32
    %mul3A_0 = arith.muli %arg1, %mul3A : i32
    %add3A = arith.addi %mul3A_0, %arg0 : i32
    "tpu.region"() ({
      %run_scoped3A = tpu.sem_alloc : memref<!tpu.dma_semaphore, #tpu.memory_space<semaphore_mem>>
      %dma_start3A_81 = arith.constant 0 : i32
      %dma_start3A_82 = arith.constant 0 : i32
      %dma_start3A_83 = tpu.memref_slice %arg2[%add3A, %dma_start3A_81, %dma_start3A_82] : memref<32x4x128xi32, #tpu.memory_space<hbm>> -> memref<1x4x128xi32, #tpu.memory_space<hbm>>
      %dma_start3A_84 = tpu.memref_squeeze %dma_start3A_83 : memref<1x4x128xi32, #tpu.memory_space<hbm>> -> memref<4x128xi32, #tpu.memory_space<hbm>>
      %dma_start3A_85 = arith.constant 0 : i32
      %dma_start3A_86 = arith.constant 0 : i32
      %dma_start3A_87 = tpu.memref_slice %arg2[%add3A, %dma_start3A_85, %dma_start3A_86] : memref<32x4x128xi32, #tpu.memory_space<hbm>> -> memref<1x4x128xi32, #tpu.memory_space<hbm>>
      %dma_start3A_88 = tpu.memref_squeeze %dma_start3A_87 : memref<1x4x128xi32, #tpu.memory_space<hbm>> -> memref<4x128xi32, #tpu.memory_space<hbm>>
      tpu.enqueue_dma source(%dma_start3A_88 : memref<4x128xi32, #tpu.memory_space<hbm>>) target(%arg5 : memref<4x128xi32, #tpu.memory_space<vmem>>) target_semaphore(%run_scoped3A : memref<!tpu.dma_semaphore, #tpu.memory_space<semaphore_mem>>)
      %dma_wait3A_89 = arith.constant 0 : i32
      %dma_wait3A_90 = arith.constant 0 : i32
      %dma_wait3A_91 = tpu.memref_slice %arg2[%add3A, %dma_wait3A_89, %dma_wait3A_90] : memref<32x4x128xi32, #tpu.memory_space<hbm>> -> memref<1x4x128xi32, #tpu.memory_space<hbm>>
      %dma_wait3A_92 = tpu.memref_squeeze %dma_wait3A_91 : memref<1x4x128xi32, #tpu.memory_space<hbm>> -> memref<4x128xi32, #tpu.memory_space<hbm>>
      %dma_wait3A_93 = arith.constant 0 : i32
      %dma_wait3A_94 = arith.constant 0 : i32
      %dma_wait3A_95 = tpu.memref_slice %arg2[%add3A, %dma_wait3A_93, %dma_wait3A_94] : memref<32x4x128xi32, #tpu.memory_space<hbm>> -> memref<1x4x128xi32, #tpu.memory_space<hbm>>
      %dma_wait3A_96 = tpu.memref_squeeze %dma_wait3A_95 : memref<1x4x128xi32, #tpu.memory_space<hbm>> -> memref<4x128xi32, #tpu.memory_space<hbm>>
      tpu.wait_dma2 semaphore(%run_scoped3A : memref<!tpu.dma_semaphore, #tpu.memory_space<semaphore_mem>>) src(%dma_wait3A_96 : memref<4x128xi32, #tpu.memory_space<hbm>>) dst(%arg5 : memref<4x128xi32, #tpu.memory_space<vmem>>)
      tpu.yield
    }) : () -> ()
    %dma_start3A = arith.constant 0 : i32
    %dma_start3A_1 = arith.constant 0 : i32
    %dma_start3A_2 = arith.constant 0 : i32
    %dma_start3A_3 = tpu.memref_slice %arg6[%dma_start3A_1, %dma_start3A_2] : memref<512x64xf32, #tpu.memory_space<vmem>> -> memref<128x64xf32, #tpu.memory_space<vmem>>
    %dma_start3A_4 = arith.constant 0 : i32
    %dma_start3A_5 = tpu.memref_slice %arg5[%dma_start3A, %dma_start3A_4] : memref<4x128xi32, #tpu.memory_space<vmem>> -> memref<1x128xi32, #tpu.memory_space<vmem>>
    %dma_start3A_6 = tpu.memref_squeeze %dma_start3A_5 : memref<1x128xi32, #tpu.memory_space<vmem>> -> memref<128xi32, #tpu.memory_space<vmem>>
    %dma_start3A_7 = arith.constant 0 : i32
    %dma_start3A_8 = arith.constant 0 : i32
    %dma_start3A_9 = tpu.memref_slice %arg3[%dma_start3A_7, %dma_start3A_8] : memref<16384x64xf32, #tpu.memory_space<hbm>> -> memref<16384x64xf32, #tpu.memory_space<hbm>>
    tpu.enqueue_indirect_dma source(%dma_start3A_9 : memref<16384x64xf32, #tpu.memory_space<hbm>>) target(%dma_start3A_3 : memref<128x64xf32, #tpu.memory_space<vmem>>) offsets(%dma_start3A_6 : memref<128xi32, #tpu.memory_space<vmem>>) semaphore(%arg7 : memref<!tpu.dma_semaphore, #tpu.memory_space<semaphore_mem>>)
    %dma_start3A_10 = arith.constant 1 : i32
    %dma_start3A_11 = arith.constant 128 : i32
    %dma_start3A_12 = arith.constant 0 : i32
    %dma_start3A_13 = tpu.memref_slice %arg6[%dma_start3A_11, %dma_start3A_12] : memref<512x64xf32, #tpu.memory_space<vmem>> -> memref<128x64xf32, #tpu.memory_space<vmem>>
    %dma_start3A_14 = arith.constant 0 : i32
    %dma_start3A_15 = tpu.memref_slice %arg5[%dma_start3A_10, %dma_start3A_14] : memref<4x128xi32, #tpu.memory_space<vmem>> -> memref<1x128xi32, #tpu.memory_space<vmem>>
    %dma_start3A_16 = tpu.memref_squeeze %dma_start3A_15 : memref<1x128xi32, #tpu.memory_space<vmem>> -> memref<128xi32, #tpu.memory_space<vmem>>
    %dma_start3A_17 = arith.constant 0 : i32
    %dma_start3A_18 = arith.constant 0 : i32
    %dma_start3A_19 = tpu.memref_slice %arg3[%dma_start3A_17, %dma_start3A_18] : memref<16384x64xf32, #tpu.memory_space<hbm>> -> memref<16384x64xf32, #tpu.memory_space<hbm>>
    tpu.enqueue_indirect_dma source(%dma_start3A_19 : memref<16384x64xf32, #tpu.memory_space<hbm>>) target(%dma_start3A_13 : memref<128x64xf32, #tpu.memory_space<vmem>>) offsets(%dma_start3A_16 : memref<128xi32, #tpu.memory_space<vmem>>) semaphore(%arg7 : memref<!tpu.dma_semaphore, #tpu.memory_space<semaphore_mem>>)
    %dma_start3A_20 = arith.constant 2 : i32
    %dma_start3A_21 = arith.constant 256 : i32
    %dma_start3A_22 = arith.constant 0 : i32
    %dma_start3A_23 = tpu.memref_slice %arg6[%dma_start3A_21, %dma_start3A_22] : memref<512x64xf32, #tpu.memory_space<vmem>> -> memref<128x64xf32, #tpu.memory_space<vmem>>
    %dma_start3A_24 = arith.constant 0 : i32
    %dma_start3A_25 = tpu.memref_slice %arg5[%dma_start3A_20, %dma_start3A_24] : memref<4x128xi32, #tpu.memory_space<vmem>> -> memref<1x128xi32, #tpu.memory_space<vmem>>
    %dma_start3A_26 = tpu.memref_squeeze %dma_start3A_25 : memref<1x128xi32, #tpu.memory_space<vmem>> -> memref<128xi32, #tpu.memory_space<vmem>>
    %dma_start3A_27 = arith.constant 0 : i32
    %dma_start3A_28 = arith.constant 0 : i32
    %dma_start3A_29 = tpu.memref_slice %arg3[%dma_start3A_27, %dma_start3A_28] : memref<16384x64xf32, #tpu.memory_space<hbm>> -> memref<16384x64xf32, #tpu.memory_space<hbm>>
    tpu.enqueue_indirect_dma source(%dma_start3A_29 : memref<16384x64xf32, #tpu.memory_space<hbm>>) target(%dma_start3A_23 : memref<128x64xf32, #tpu.memory_space<vmem>>) offsets(%dma_start3A_26 : memref<128xi32, #tpu.memory_space<vmem>>) semaphore(%arg7 : memref<!tpu.dma_semaphore, #tpu.memory_space<semaphore_mem>>)
    %dma_start3A_30 = arith.constant 3 : i32
    %dma_start3A_31 = arith.constant 384 : i32
    %dma_start3A_32 = arith.constant 0 : i32
    %dma_start3A_33 = tpu.memref_slice %arg6[%dma_start3A_31, %dma_start3A_32] : memref<512x64xf32, #tpu.memory_space<vmem>> -> memref<128x64xf32, #tpu.memory_space<vmem>>
    %dma_start3A_34 = arith.constant 0 : i32
    %dma_start3A_35 = tpu.memref_slice %arg5[%dma_start3A_30, %dma_start3A_34] : memref<4x128xi32, #tpu.memory_space<vmem>> -> memref<1x128xi32, #tpu.memory_space<vmem>>
    %dma_start3A_36 = tpu.memref_squeeze %dma_start3A_35 : memref<1x128xi32, #tpu.memory_space<vmem>> -> memref<128xi32, #tpu.memory_space<vmem>>
    %dma_start3A_37 = arith.constant 0 : i32
    %dma_start3A_38 = arith.constant 0 : i32
    %dma_start3A_39 = tpu.memref_slice %arg3[%dma_start3A_37, %dma_start3A_38] : memref<16384x64xf32, #tpu.memory_space<hbm>> -> memref<16384x64xf32, #tpu.memory_space<hbm>>
    tpu.enqueue_indirect_dma source(%dma_start3A_39 : memref<16384x64xf32, #tpu.memory_space<hbm>>) target(%dma_start3A_33 : memref<128x64xf32, #tpu.memory_space<vmem>>) offsets(%dma_start3A_36 : memref<128xi32, #tpu.memory_space<vmem>>) semaphore(%arg7 : memref<!tpu.dma_semaphore, #tpu.memory_space<semaphore_mem>>)
    %dma_wait3A = arith.constant 0 : i32
    %dma_wait3A_40 = arith.constant 0 : i32
    %dma_wait3A_41 = arith.constant 0 : i32
    %dma_wait3A_42 = tpu.memref_slice %arg6[%dma_wait3A_40, %dma_wait3A_41] : memref<512x64xf32, #tpu.memory_space<vmem>> -> memref<128x64xf32, #tpu.memory_space<vmem>>
    %dma_wait3A_43 = arith.constant 0 : i32
    %dma_wait3A_44 = tpu.memref_slice %arg5[%dma_wait3A, %dma_wait3A_43] : memref<4x128xi32, #tpu.memory_space<vmem>> -> memref<1x128xi32, #tpu.memory_space<vmem>>
    %dma_wait3A_45 = tpu.memref_squeeze %dma_wait3A_44 : memref<1x128xi32, #tpu.memory_space<vmem>> -> memref<128xi32, #tpu.memory_space<vmem>>
    %dma_wait3A_46 = arith.constant 0 : i32
    %dma_wait3A_47 = arith.constant 0 : i32
    %dma_wait3A_48 = tpu.memref_slice %arg3[%dma_wait3A_46, %dma_wait3A_47] : memref<16384x64xf32, #tpu.memory_space<hbm>> -> memref<16384x64xf32, #tpu.memory_space<hbm>>
    tpu.wait_indirect_dma semaphore(%arg7 : memref<!tpu.dma_semaphore, #tpu.memory_space<semaphore_mem>>) src(%dma_wait3A_48 : memref<16384x64xf32, #tpu.memory_space<hbm>>) dst(%dma_wait3A_42 : memref<128x64xf32, #tpu.memory_space<vmem>>)
    %dma_wait3A_49 = arith.constant 1 : i32
    %dma_wait3A_50 = arith.constant 128 : i32
    %dma_wait3A_51 = arith.constant 0 : i32
    %dma_wait3A_52 = tpu.memref_slice %arg6[%dma_wait3A_50, %dma_wait3A_51] : memref<512x64xf32, #tpu.memory_space<vmem>> -> memref<128x64xf32, #tpu.memory_space<vmem>>
    %dma_wait3A_53 = arith.constant 0 : i32
    %dma_wait3A_54 = tpu.memref_slice %arg5[%dma_wait3A_49, %dma_wait3A_53] : memref<4x128xi32, #tpu.memory_space<vmem>> -> memref<1x128xi32, #tpu.memory_space<vmem>>
    %dma_wait3A_55 = tpu.memref_squeeze %dma_wait3A_54 : memref<1x128xi32, #tpu.memory_space<vmem>> -> memref<128xi32, #tpu.memory_space<vmem>>
    %dma_wait3A_56 = arith.constant 0 : i32
    %dma_wait3A_57 = arith.constant 0 : i32
    %dma_wait3A_58 = tpu.memref_slice %arg3[%dma_wait3A_56, %dma_wait3A_57] : memref<16384x64xf32, #tpu.memory_space<hbm>> -> memref<16384x64xf32, #tpu.memory_space<hbm>>
    tpu.wait_indirect_dma semaphore(%arg7 : memref<!tpu.dma_semaphore, #tpu.memory_space<semaphore_mem>>) src(%dma_wait3A_58 : memref<16384x64xf32, #tpu.memory_space<hbm>>) dst(%dma_wait3A_52 : memref<128x64xf32, #tpu.memory_space<vmem>>)
    %dma_wait3A_59 = arith.constant 2 : i32
    %dma_wait3A_60 = arith.constant 256 : i32
    %dma_wait3A_61 = arith.constant 0 : i32
    %dma_wait3A_62 = tpu.memref_slice %arg6[%dma_wait3A_60, %dma_wait3A_61] : memref<512x64xf32, #tpu.memory_space<vmem>> -> memref<128x64xf32, #tpu.memory_space<vmem>>
    %dma_wait3A_63 = arith.constant 0 : i32
    %dma_wait3A_64 = tpu.memref_slice %arg5[%dma_wait3A_59, %dma_wait3A_63] : memref<4x128xi32, #tpu.memory_space<vmem>> -> memref<1x128xi32, #tpu.memory_space<vmem>>
    %dma_wait3A_65 = tpu.memref_squeeze %dma_wait3A_64 : memref<1x128xi32, #tpu.memory_space<vmem>> -> memref<128xi32, #tpu.memory_space<vmem>>
    %dma_wait3A_66 = arith.constant 0 : i32
    %dma_wait3A_67 = arith.constant 0 : i32
    %dma_wait3A_68 = tpu.memref_slice %arg3[%dma_wait3A_66, %dma_wait3A_67] : memref<16384x64xf32, #tpu.memory_space<hbm>> -> memref<16384x64xf32, #tpu.memory_space<hbm>>
    tpu.wait_indirect_dma semaphore(%arg7 : memref<!tpu.dma_semaphore, #tpu.memory_space<semaphore_mem>>) src(%dma_wait3A_68 : memref<16384x64xf32, #tpu.memory_space<hbm>>) dst(%dma_wait3A_62 : memref<128x64xf32, #tpu.memory_space<vmem>>)
    %dma_wait3A_69 = arith.constant 3 : i32
    %dma_wait3A_70 = arith.constant 384 : i32
    %dma_wait3A_71 = arith.constant 0 : i32
    %dma_wait3A_72 = tpu.memref_slice %arg6[%dma_wait3A_70, %dma_wait3A_71] : memref<512x64xf32, #tpu.memory_space<vmem>> -> memref<128x64xf32, #tpu.memory_space<vmem>>
    %dma_wait3A_73 = arith.constant 0 : i32
    %dma_wait3A_74 = tpu.memref_slice %arg5[%dma_wait3A_69, %dma_wait3A_73] : memref<4x128xi32, #tpu.memory_space<vmem>> -> memref<1x128xi32, #tpu.memory_space<vmem>>
    %dma_wait3A_75 = tpu.memref_squeeze %dma_wait3A_74 : memref<1x128xi32, #tpu.memory_space<vmem>> -> memref<128xi32, #tpu.memory_space<vmem>>
    %dma_wait3A_76 = arith.constant 0 : i32
    %dma_wait3A_77 = arith.constant 0 : i32
    %dma_wait3A_78 = tpu.memref_slice %arg3[%dma_wait3A_76, %dma_wait3A_77] : memref<16384x64xf32, #tpu.memory_space<hbm>> -> memref<16384x64xf32, #tpu.memory_space<hbm>>
    tpu.wait_indirect_dma semaphore(%arg7 : memref<!tpu.dma_semaphore, #tpu.memory_space<semaphore_mem>>) src(%dma_wait3A_78 : memref<16384x64xf32, #tpu.memory_space<hbm>>) dst(%dma_wait3A_72 : memref<128x64xf32, #tpu.memory_space<vmem>>)
    %mul3A_79 = arith.constant 512 : i32
    %mul3A_80 = arith.muli %add3A, %mul3A_79 : i32
    "tpu.region"() ({
      %run_scoped3A = tpu.sem_alloc : memref<!tpu.dma_semaphore, #tpu.memory_space<semaphore_mem>>
      %dma_start3A_81 = arith.constant 0 : i32
      %dma_start3A_82 = tpu.memref_slice %arg4[%mul3A_80, %dma_start3A_81] : memref<16384x64xf32, #tpu.memory_space<hbm>> -> memref<512x64xf32, #tpu.memory_space<hbm>>
      %dma_start3A_83 = arith.constant 0 : i32
      %dma_start3A_84 = tpu.memref_slice %arg4[%mul3A_80, %dma_start3A_83] : memref<16384x64xf32, #tpu.memory_space<hbm>> -> memref<512x64xf32, #tpu.memory_space<hbm>>
      tpu.enqueue_dma source(%arg6 : memref<512x64xf32, #tpu.memory_space<vmem>>) target(%dma_start3A_84 : memref<512x64xf32, #tpu.memory_space<hbm>>) target_semaphore(%run_scoped3A : memref<!tpu.dma_semaphore, #tpu.memory_space<semaphore_mem>>)
      %dma_wait3A_85 = arith.constant 0 : i32
      %dma_wait3A_86 = tpu.memref_slice %arg4[%mul3A_80, %dma_wait3A_85] : memref<16384x64xf32, #tpu.memory_space<hbm>> -> memref<512x64xf32, #tpu.memory_space<hbm>>
      %dma_wait3A_87 = arith.constant 0 : i32
      %dma_wait3A_88 = tpu.memref_slice %arg4[%mul3A_80, %dma_wait3A_87] : memref<16384x64xf32, #tpu.memory_space<hbm>> -> memref<512x64xf32, #tpu.memory_space<hbm>>
      tpu.wait_dma2 semaphore(%run_scoped3A : memref<!tpu.dma_semaphore, #tpu.memory_space<semaphore_mem>>) src(%arg6 : memref<512x64xf32, #tpu.memory_space<vmem>>) dst(%dma_wait3A_88 : memref<512x64xf32, #tpu.memory_space<hbm>>)
      tpu.yield
    }) : () -> ()
    return
  }
}

module attributes {stable_mosaic.version = 14 : i64} {
  func.func @_tc_body(%arg0: i32, %arg1: memref<196xi32, #tpu.memory_space<smem>>, %arg2: memref<196xi32, #tpu.memory_space<smem>>, %arg3: memref<64x5120xf32, #tpu.memory_space<vmem>>, %arg4: memref<128x1x128xi32, #tpu.memory_space<vmem>>, %arg5: memref<128x64x128xf32, #tpu.memory_space<vmem>>, %arg6: memref<64x5120xf32, #tpu.memory_space<vmem>>) attributes {dimension_semantics = [#tpu.dimension_semantics<parallel>], iteration_bounds = array<i64: 196>, scalar_prefetch = 2 : i64, scratch_operands = 0 : i64, tpu.core_type = #tpu.core_type<tc>, window_params = [{transform_indices = @transform_0, window_bounds = array<i64: 64, 5120>}, {pipeline_mode = #tpu.pipeline_mode<synchronous>, transform_indices = @transform_1, window_bounds = array<i64: 128, 1, 128>}, {pipeline_mode = #tpu.pipeline_mode<synchronous>, transform_indices = @transform_2, window_bounds = array<i64: 128, 64, 128>}, {transform_indices = @transform_3, window_bounds = array<i64: 64, 5120>}]} {
    %get3A = arith.index_cast %arg0 : i32 to index
    %get3A_0 = memref.load %arg1[%get3A] : memref<196xi32, #tpu.memory_space<smem>>
    %get3A_1 = arith.index_cast %arg0 : i32 to index
    %get3A_2 = memref.load %arg2[%get3A_1] : memref<196xi32, #tpu.memory_space<smem>>
    %get3A_3 = arith.constant 0 : index
    %get3A_4 = arith.constant 0 : index
    %get3A_5 = vector.load %arg3[%get3A_3, %get3A_4] : memref<64x5120xf32, #tpu.memory_space<vmem>>, vector<64x5120xf32>
    %swap3A = arith.constant 0 : index
    %swap3A_6 = arith.constant 0 : index
    %swap3A_7 = vector.load %arg6[%swap3A, %swap3A_6] : memref<64x5120xf32, #tpu.memory_space<vmem>>, vector<64x5120xf32>
    tpu.vector_store %arg6[%swap3A, %swap3A_6], %get3A_5 {strides = array<i32>} : memref<64x5120xf32, #tpu.memory_space<vmem>>, vector<64x5120xf32>,
    %jit3A = arith.constant 128 : i32
    %div3A = arith.divsi %get3A_0, %jit3A : i32
    %sign3A = arith.constant 0 : i32
    %sign3A_8 = arith.cmpi sgt, %get3A_0, %sign3A : i32
    %sign3A_9 = arith.extui %sign3A_8 : i1 to i32
    %sign3A_10 = arith.constant 0 : i32
    %sign3A_11 = arith.cmpi slt, %get3A_0, %sign3A_10 : i32
    %sign3A_12 = arith.extui %sign3A_11 : i1 to i32
    %sign3A_13 = arith.subi %sign3A_9, %sign3A_12 : i32
    %sign3A_14 = arith.constant 0 : i32
    %sign3A_15 = arith.cmpi sgt, %jit3A, %sign3A_14 : i32
    %sign3A_16 = arith.extui %sign3A_15 : i1 to i32
    %sign3A_17 = arith.constant 0 : i32
    %sign3A_18 = arith.cmpi slt, %jit3A, %sign3A_17 : i32
    %sign3A_19 = arith.extui %sign3A_18 : i1 to i32
    %sign3A_20 = arith.subi %sign3A_16, %sign3A_19 : i32
    %ne3A = arith.cmpi ne, %sign3A_13, %sign3A_20 : i32
    %rem3A = arith.remsi %get3A_0, %jit3A : i32
    %ne3A_21 = arith.constant 0 : i32
    %ne3A_22 = arith.cmpi ne, %rem3A, %ne3A_21 : i32
    %and3A = arith.andi %ne3A, %ne3A_22 : i1
    %sub3A = arith.constant 1 : i32
    %sub3A_23 = arith.subi %div3A, %sub3A : i32
    %select_n3A = arith.select %and3A, %sub3A_23, %div3A : i32
    %add3A = arith.constant 128 : i32
    %add3A_24 = arith.addi %get3A_2, %add3A : i32
    %sub3A_25 = arith.constant 1 : i32
    %sub3A_26 = arith.subi %add3A_24, %sub3A_25 : i32
    %jit3A_27 = arith.constant 128 : i32
    %div3A_28 = arith.divsi %sub3A_26, %jit3A_27 : i32
    %sign3A_29 = arith.constant 0 : i32
    %sign3A_30 = arith.cmpi sgt, %sub3A_26, %sign3A_29 : i32
    %sign3A_31 = arith.extui %sign3A_30 : i1 to i32
    %sign3A_32 = arith.constant 0 : i32
    %sign3A_33 = arith.cmpi slt, %sub3A_26, %sign3A_32 : i32
    %sign3A_34 = arith.extui %sign3A_33 : i1 to i32
    %sign3A_35 = arith.subi %sign3A_31, %sign3A_34 : i32
    %sign3A_36 = arith.constant 0 : i32
    %sign3A_37 = arith.cmpi sgt, %jit3A_27, %sign3A_36 : i32
    %sign3A_38 = arith.extui %sign3A_37 : i1 to i32
    %sign3A_39 = arith.constant 0 : i32
    %sign3A_40 = arith.cmpi slt, %jit3A_27, %sign3A_39 : i32
    %sign3A_41 = arith.extui %sign3A_40 : i1 to i32
    %sign3A_42 = arith.subi %sign3A_38, %sign3A_41 : i32
    %ne3A_43 = arith.cmpi ne, %sign3A_35, %sign3A_42 : i32
    %rem3A_44 = arith.remsi %sub3A_26, %jit3A_27 : i32
    %ne3A_45 = arith.constant 0 : i32
    %ne3A_46 = arith.cmpi ne, %rem3A_44, %ne3A_45 : i32
    %and3A_47 = arith.andi %ne3A_43, %ne3A_46 : i1
    %sub3A_48 = arith.constant 1 : i32
    %sub3A_49 = arith.subi %div3A_28, %sub3A_48 : i32
    %select_n3A_50 = arith.select %and3A_47, %sub3A_49, %div3A_28 : i32
    %sub3A_51 = arith.subi %select_n3A_50, %select_n3A : i32
    %iota3A = tpu.iota {dimensions = array<i32: 0>} : vector<5120x128xi32>
    %mul3A = arith.constant 5120 : i32
    %mul3A_52 = arith.muli %arg0, %mul3A : i32
    %add3A_53 = vector.broadcast %mul3A_52 : i32 to vector<5120x128xi32>
    %add3A_54 = arith.addi %iota3A, %add3A_53 : vector<5120x128xi32>
    %while3A = arith.constant 0 : i32
    %while3A_55 = arith.constant 0 : i32
    %while3A_56 = arith.subi %sub3A_51, %while3A_55 : i32
    %while3A_57 = arith.addi %while3A_55, %while3A_56 : i32
    %while3A_58 = arith.constant 1 : i32
    %while3A_59 = arith.divsi %while3A_56, %while3A_58 : i32
    %while3A_60 = arith.muli %while3A_59, %while3A_58 : i32
    %while3A_61 = arith.addi %while3A_55, %while3A_60 : i32
    %while3A_62 = arith.constant 1 : i32
    scf.for %while3A_64 = %while3A_55 to %while3A_61 step %while3A_62  : i32 {
      %add3A_65 = arith.addi %select_n3A, %while3A_64 : i32
      %get3A_66 = arith.index_cast %add3A_65 : i32 to index
      %get3A_67 = arith.constant 0 : index
      %get3A_68 = arith.constant 0 : index
      %get3A_69 = vector.load %arg4[%get3A_66, %get3A_67, %get3A_68] : memref<128x1x128xi32, #tpu.memory_space<vmem>>, vector<1x1x128xi32>
      %reshape3A = vector.shape_cast %get3A_69 : vector<1x1x128xi32> to vector<1x128xi32>
      %get3A_70 = arith.index_cast %add3A_65 : i32 to index
      %get3A_71 = arith.constant 0 : index
      %get3A_72 = arith.constant 0 : index
      %get3A_73 = vector.load %arg5[%get3A_70, %get3A_71, %get3A_72] : memref<128x64x128xf32, #tpu.memory_space<vmem>>, vector<1x64x128xf32>
      %reshape3A_74 = vector.shape_cast %get3A_73 : vector<1x64x128xf32> to vector<64x128xf32>
      %broadcast_in_dim3A = vector.shape_cast %reshape3A : vector<1x128xi32> to vector<1x128xi32>
      %broadcast_in_dim3A_75 = vector.broadcast %broadcast_in_dim3A : vector<1x128xi32> to vector<5120x128xi32>
      %eq3A = arith.cmpi eq, %add3A_54, %broadcast_in_dim3A_75 : vector<5120x128xi32>
      %convert_element_type3A = arith.extui %eq3A : vector<5120x128xi1> to vector<5120x128xi32>
      %convert_element_type3A_76 = arith.sitofp %convert_element_type3A : vector<5120x128xi32> to vector<5120x128xf32>
      %convert_element_type3A_77 = arith.truncf %convert_element_type3A_76 : vector<5120x128xf32> to vector<5120x128xbf16>
      %broadcast_in_dim3A_78 = arith.constant 1.000000e+00 : f32
      %broadcast_in_dim3A_79 = vector.broadcast %broadcast_in_dim3A_78 : f32 to vector<1x128xf32>
      %concatenate3A = tpu.concatenate %reshape3A_74, %broadcast_in_dim3A_79 in 0 : vector<64x128xf32>, vector<1x128xf32> -> vector<65x128xf32>
      %convert_element_type3A_80 = arith.truncf %concatenate3A : vector<65x128xf32> to vector<65x128xbf16>
      %convert_element_type3A_81 = arith.extf %convert_element_type3A_80 : vector<65x128xbf16> to vector<65x128xf32>
      %sub3A_82 = arith.subf %concatenate3A, %convert_element_type3A_81 : vector<65x128xf32>
      %convert_element_type3A_83 = arith.truncf %sub3A_82 : vector<65x128xf32> to vector<65x128xbf16>
      %dot_general3A = arith.constant dense<0.000000e+00> : vector<65x5120xf32>
      %dot_general3A_84 = tpu.matmul %convert_element_type3A_83, %convert_element_type3A_77, %dot_general3A {dimension_numbers = #tpu.dot_dimension_numbers<[1], [1], [0], [0], [0, 0, 1, 0], [], []>, transpose_lhs_hint = false} : vector<65x128xbf16>, vector<5120x128xbf16>, vector<65x5120xf32> -> vector<65x5120xf32>
      %dot_general3A_85 = arith.constant dense<0.000000e+00> : vector<65x5120xf32>
      %dot_general3A_86 = tpu.matmul %convert_element_type3A_80, %convert_element_type3A_77, %dot_general3A_85 {dimension_numbers = #tpu.dot_dimension_numbers<[1], [1], [0], [0], [0, 0, 1, 0], [], []>, transpose_lhs_hint = false} : vector<65x128xbf16>, vector<5120x128xbf16>, vector<65x5120xf32> -> vector<65x5120xf32>
      %add3A_87 = arith.addf %dot_general3A_84, %dot_general3A_86 : vector<65x5120xf32>
      %slice3A = vector.extract_strided_slice %add3A_87 {offsets = [64, 0], sizes = [1, 5120], strides = [1, 1]} : vector<65x5120xf32> to vector<1x5120xf32>
      %slice3A_88 = vector.extract_strided_slice %add3A_87 {offsets = [0, 0], sizes = [64, 5120], strides = [1, 1]} : vector<65x5120xf32> to vector<64x5120xf32>
      %gt3A = arith.constant 5.000000e-01 : f32
      %gt3A_89 = vector.broadcast %gt3A : f32 to vector<1x5120xf32>
      %gt3A_90 = arith.cmpf ogt, %slice3A, %gt3A_89 : vector<1x5120xf32>
      %get3A_91 = arith.constant 0 : index
      %get3A_92 = arith.constant 0 : index
      %get3A_93 = vector.load %arg6[%get3A_91, %get3A_92] : memref<64x5120xf32, #tpu.memory_space<vmem>>, vector<64x5120xf32>
      %broadcast_in_dim3A_94 = vector.shape_cast %gt3A_90 : vector<1x5120xi1> to vector<1x5120xi1>
      %broadcast_in_dim3A_95 = vector.broadcast %broadcast_in_dim3A_94 : vector<1x5120xi1> to vector<64x5120xi1>
      %select_n3A_96 = arith.select %broadcast_in_dim3A_95, %slice3A_88, %get3A_93 : vector<64x5120xi1>, vector<64x5120xf32>
      %swap3A_97 = arith.constant 0 : index
      %swap3A_98 = arith.constant 0 : index
      %swap3A_99 = vector.load %arg6[%swap3A_97, %swap3A_98] : memref<64x5120xf32, #tpu.memory_space<vmem>>, vector<64x5120xf32>
      tpu.vector_store %arg6[%swap3A_97, %swap3A_98], %select_n3A_96 {strides = array<i32>} : memref<64x5120xf32, #tpu.memory_space<vmem>>, vector<64x5120xf32>,
    }
    %while3A_63 = arith.constant 1 : i32
    scf.for %while3A_64 = %while3A_61 to %while3A_57 step %while3A_63  : i32 {
      %add3A_65 = arith.addi %select_n3A, %while3A_64 : i32
      %get3A_66 = arith.index_cast %add3A_65 : i32 to index
      %get3A_67 = arith.constant 0 : index
      %get3A_68 = arith.constant 0 : index
      %get3A_69 = vector.load %arg4[%get3A_66, %get3A_67, %get3A_68] : memref<128x1x128xi32, #tpu.memory_space<vmem>>, vector<1x1x128xi32>
      %reshape3A = vector.shape_cast %get3A_69 : vector<1x1x128xi32> to vector<1x128xi32>
      %get3A_70 = arith.index_cast %add3A_65 : i32 to index
      %get3A_71 = arith.constant 0 : index
      %get3A_72 = arith.constant 0 : index
      %get3A_73 = vector.load %arg5[%get3A_70, %get3A_71, %get3A_72] : memref<128x64x128xf32, #tpu.memory_space<vmem>>, vector<1x64x128xf32>
      %reshape3A_74 = vector.shape_cast %get3A_73 : vector<1x64x128xf32> to vector<64x128xf32>
      %broadcast_in_dim3A = vector.shape_cast %reshape3A : vector<1x128xi32> to vector<1x128xi32>
      %broadcast_in_dim3A_75 = vector.broadcast %broadcast_in_dim3A : vector<1x128xi32> to vector<5120x128xi32>
      %eq3A = arith.cmpi eq, %add3A_54, %broadcast_in_dim3A_75 : vector<5120x128xi32>
      %convert_element_type3A = arith.extui %eq3A : vector<5120x128xi1> to vector<5120x128xi32>
      %convert_element_type3A_76 = arith.sitofp %convert_element_type3A : vector<5120x128xi32> to vector<5120x128xf32>
      %convert_element_type3A_77 = arith.truncf %convert_element_type3A_76 : vector<5120x128xf32> to vector<5120x128xbf16>
      %broadcast_in_dim3A_78 = arith.constant 1.000000e+00 : f32
      %broadcast_in_dim3A_79 = vector.broadcast %broadcast_in_dim3A_78 : f32 to vector<1x128xf32>
      %concatenate3A = tpu.concatenate %reshape3A_74, %broadcast_in_dim3A_79 in 0 : vector<64x128xf32>, vector<1x128xf32> -> vector<65x128xf32>
      %convert_element_type3A_80 = arith.truncf %concatenate3A : vector<65x128xf32> to vector<65x128xbf16>
      %convert_element_type3A_81 = arith.extf %convert_element_type3A_80 : vector<65x128xbf16> to vector<65x128xf32>
      %sub3A_82 = arith.subf %concatenate3A, %convert_element_type3A_81 : vector<65x128xf32>
      %convert_element_type3A_83 = arith.truncf %sub3A_82 : vector<65x128xf32> to vector<65x128xbf16>
      %dot_general3A = arith.constant dense<0.000000e+00> : vector<65x5120xf32>
      %dot_general3A_84 = tpu.matmul %convert_element_type3A_83, %convert_element_type3A_77, %dot_general3A {dimension_numbers = #tpu.dot_dimension_numbers<[1], [1], [0], [0], [0, 0, 1, 0], [], []>, transpose_lhs_hint = false} : vector<65x128xbf16>, vector<5120x128xbf16>, vector<65x5120xf32> -> vector<65x5120xf32>
      %dot_general3A_85 = arith.constant dense<0.000000e+00> : vector<65x5120xf32>
      %dot_general3A_86 = tpu.matmul %convert_element_type3A_80, %convert_element_type3A_77, %dot_general3A_85 {dimension_numbers = #tpu.dot_dimension_numbers<[1], [1], [0], [0], [0, 0, 1, 0], [], []>, transpose_lhs_hint = false} : vector<65x128xbf16>, vector<5120x128xbf16>, vector<65x5120xf32> -> vector<65x5120xf32>
      %add3A_87 = arith.addf %dot_general3A_84, %dot_general3A_86 : vector<65x5120xf32>
      %slice3A = vector.extract_strided_slice %add3A_87 {offsets = [64, 0], sizes = [1, 5120], strides = [1, 1]} : vector<65x5120xf32> to vector<1x5120xf32>
      %slice3A_88 = vector.extract_strided_slice %add3A_87 {offsets = [0, 0], sizes = [64, 5120], strides = [1, 1]} : vector<65x5120xf32> to vector<64x5120xf32>
      %gt3A = arith.constant 5.000000e-01 : f32
      %gt3A_89 = vector.broadcast %gt3A : f32 to vector<1x5120xf32>
      %gt3A_90 = arith.cmpf ogt, %slice3A, %gt3A_89 : vector<1x5120xf32>
      %get3A_91 = arith.constant 0 : index
      %get3A_92 = arith.constant 0 : index
      %get3A_93 = vector.load %arg6[%get3A_91, %get3A_92] : memref<64x5120xf32, #tpu.memory_space<vmem>>, vector<64x5120xf32>
      %broadcast_in_dim3A_94 = vector.shape_cast %gt3A_90 : vector<1x5120xi1> to vector<1x5120xi1>
      %broadcast_in_dim3A_95 = vector.broadcast %broadcast_in_dim3A_94 : vector<1x5120xi1> to vector<64x5120xi1>
      %select_n3A_96 = arith.select %broadcast_in_dim3A_95, %slice3A_88, %get3A_93 : vector<64x5120xi1>, vector<64x5120xf32>
      %swap3A_97 = arith.constant 0 : index
      %swap3A_98 = arith.constant 0 : index
      %swap3A_99 = vector.load %arg6[%swap3A_97, %swap3A_98] : memref<64x5120xf32, #tpu.memory_space<vmem>>, vector<64x5120xf32>
      tpu.vector_store %arg6[%swap3A_97, %swap3A_98], %select_n3A_96 {strides = array<i32>} : memref<64x5120xf32, #tpu.memory_space<vmem>>, vector<64x5120xf32>,
    }
    return
  }
  func.func @transform_0(%arg0: i32, %arg1: memref<196xi32, #tpu.memory_space<smem>>, %arg2: memref<196xi32, #tpu.memory_space<smem>>) -> (i32, i32) {
    %c0_i32 = arith.constant 0 : i32
    %c0_i32_0 = arith.constant 0 : i32
    return %c0_i32, %arg0 : i32, i32
  }
  func.func @transform_1(%arg0: i32, %arg1: memref<196xi32, #tpu.memory_space<smem>>, %arg2: memref<196xi32, #tpu.memory_space<smem>>) -> (i32, i32, i32) {
    %c0_i32 = arith.constant 0 : i32
    %c0_i32_0 = arith.constant 0 : i32
    %c0_i32_1 = arith.constant 0 : i32
    %c0_i32_2 = arith.constant 0 : i32
    return %c0_i32, %c0_i32_0, %c0_i32_1 : i32, i32, i32
  }
  func.func @transform_2(%arg0: i32, %arg1: memref<196xi32, #tpu.memory_space<smem>>, %arg2: memref<196xi32, #tpu.memory_space<smem>>) -> (i32, i32, i32) {
    %c0_i32 = arith.constant 0 : i32
    %c0_i32_0 = arith.constant 0 : i32
    %c0_i32_1 = arith.constant 0 : i32
    %c0_i32_2 = arith.constant 0 : i32
    return %c0_i32, %c0_i32_0, %c0_i32_1 : i32, i32, i32
  }
  func.func @transform_3(%arg0: i32, %arg1: memref<196xi32, #tpu.memory_space<smem>>, %arg2: memref<196xi32, #tpu.memory_space<smem>>) -> (i32, i32) {
    %c0_i32 = arith.constant 0 : i32
    %c0_i32_0 = arith.constant 0 : i32
    return %c0_i32, %arg0 : i32, i32
  }
}

</mosaic_0001>

<sc_bundles>
// kernel: gather_offload_async_start.1
scs
__scs_entry_jumppad:
0x0: {  	(pc) =	sbr.rel $0x88, $3  }
0x1: {  	(tag) =	ssettag $0x0;
	lr =	simm.s32 $0x1  }
0x2: {  	[smem:$0x3F9E] =	sst lr;
	_ =	strace $0xD0000000  }
0x3: {  	_ = 	snop  }
0x4: {  	_ = 	snop  }
0x5: {  	_ = 	snop  }
0x6: {  	_ = 	snop  }
0x7: {  	_ = 	snop  }
__scs_overlays_trampoline_lowered:
0x8: {  	[smem:$0x3FAD] =	sst s0  }
0x9: {  	[smem:$0x3FAE] =	sst s1  }
0xa: {  	[smem:$0x3FAF] =	sst s2  }
0xb: {  	[smem:$0x3FB0] =	sst s3  }
0xc: {  	[smem:$0x3FB1] =	sst s4  }
0xd: {  	[smem:$0x3FB2] =	sst s5  }
0xe: {  	[smem:$0x3FB3] =	sst s6  }
0xf: {  	[smem:$0x3FB4] =	sst s7  }
0x10: {  	[smem:$0x3FB5] =	sst s8  }
0x11: {  	[smem:$0x3FB6] =	sst s9;
	s0 =	simm.s32 @!p0 $0x0  }
0x12: {  	s1 =	sld [smem:$0x3F9C];
	s0 =	simm.s32 @p0 $0x1  }
0x13: {  	[smem:$0x3FB7] =	sst s0;
	s0 =	simm.s32 @!p1 $0x0  }
0x14: {  	s2 =	sld [smem:$0x3F9B];
	s0 =	simm.s32 @p1 $0x1  }
0x15: {  	[smem:$0x3FB8] =	sst s0;
	s0 =	simm.s32 @!p2 $0x0  }
0x16: {  	s3 =	sld [smem:$0x3FDB];
	s0 =	simm.s32 @p2 $0x1  }
0x17: {  	s4 =	simm.s32 $0x1BF5;
	[smem:$0x3FBA] =	sst s0  }
0x18: {  	s0 =	sld [smem:$0x3F9D];
	_ =	swait.ge [sflag:s4], $0x0  }
0x19: {  	s7 =	sld [smem:$0x3F9E]  }
0x1a: {  	s8 =	sadd.s32 $0xFFFFE003, lr  }
0x1b: {  	s9 =	sadd.s32 $0xFFFFFEF7, lr;
	s5 =	simm.s32 $0xFFFFFFFF;
	p2 =	slt.u32 s8, $0xFFFFF086  }
0x1c: {  	p1 =	slt.u32 s9, $0xF7A;
	s5 =	simm.s32 @!p2 $0x0  }
0x1d: {  	s5 =	simm.s32 @p1 $0x1;
	p0 =	seq.s32 s7, s2  }
0x1e: {  	s7 =	smul.u32 @!p0 $0xF7A, s2;
	p2 =	seq.s32 @!p0 s5, $0x0  }
0x1f: {  	s9 =	smul.u32 $0xF7A, s1;
	s8 =	simm.s32 @!p0 $0x1BF5;
	p2 =	por !p2, p0  }
0x20: {  	[sflag:s8] =	ssyncset.s32 @!p0 $0xFFFFF086;
	s6 =	sadd.s32 @!p0 s3, s7;
	s7 =	simm.s32 @!p0 $0x108  }
0x21: {  	s3 =	sadd.s32 s3, s9;
	s6 =	sadd.s32 @!p0 $0x88, s6;
	s7 =	simm.s32 @p2 $0x1082  }
0x22: {  	[simem:s7], [sflag:s8] =	dma.local @!p0 [hbm:s6], $0xF7A  }
0x23: {  	s9 =	sor.u32 $0xD0000000, s2;
	s6 =	simm.s32 $0x108;
	_ =	swait.ge @!p0 [sflag:s8], $0x0  }
0x24: {  	s3 =	sadd.s32 $0x88, s3;
	s6 =	simm.s32 @!p1 $0x1082;
	[sflag:s4] =	ssyncset.s32 $0xFFFFF086  }
0x25: {  	[simem:s6], [sflag:s4] =	dma.local [hbm:s3], $0xF7A  }
0x26: {  	[smem:$0x3F9E] =	sst s1;
	(tag) =	ssettag s2;
	_ =	strace s9  }
0x27: {  	s1 =	sld [smem:$0x3FAE]  }
0x28: {  	s2 =	sld [smem:$0x3FAF]  }
0x29: {  	s4 =	sld [smem:$0x3FB1]  }
0x2a: {  	p0 =	seq.s32 s5, $0x0;
	s5 =	sld [smem:$0x3FB2]  }
0x2b: {  	s6 =	sld [smem:$0x3FB3]  }
0x2c: {  	s7 =	sld [smem:$0x3FB4]  }
0x2d: {  	s3 =	simm.s32 $0x108;
	s8 =	sld [smem:$0x3FB5]  }
0x2e: {  	s3 =	simm.s32 @!p0 $0x1082;
	s9 =	sld [smem:$0x3FB6]  }
0x2f: {  	lr =	sadd.s32 s0, s3;
	s0 =	sld [smem:$0x3FAD]  }
0x30: {  	s3 =	sld [smem:$0x3FB0]  }
0x31: {  	[smem:$0x3FB9] =	sst s10  }
0x32: {  	s10 =	sld [smem:$0x3FB7];
	_ =	sdelay $0x3  }
0x33: {  	p0 =	seq.s32 s10, $0x1;
	s10 =	sld [smem:$0x3FB9];
	_ =	sdelay $0x3  }
0x34: {  	[smem:$0x3FB9] =	sst s10  }
0x35: {  	s10 =	sld [smem:$0x3FB8];
	_ =	sdelay $0x3  }
0x36: {  	p1 =	seq.s32 s10, $0x1;
	s10 =	sld [smem:$0x3FB9];
	_ =	sdelay $0x3  }
0x37: {  	[smem:$0x3FB9] =	sst s10  }
0x38: {  	s10 =	sld [smem:$0x3FBA]  }
0x39: {  	_ = 	snop;
	(pc) =	sbr.ind lr, $3  }
0x3a: {  	_ = 	snop  }
0x3b: {  	_ = 	snop  }
0x3c: {  	p2 =	seq.s32 s10, $0x1;
	s10 =	sld [smem:$0x3FB9]  }
0x3d: {  	_ =	shalt  }
0x3e: {  	_ =	shalt  }
0x3f: {  	_ =	shalt  }
0x40: {  	_ =	shalt  }
0x41: {  	_ =	shalt  }
0x42: {  	_ =	shalt  }
0x43: {  	_ =	shalt  }
0x44: {  	_ =	shalt  }
0x45: {  	_ =	shalt  }
0x46: {  	_ =	shalt  }
0x47: {  	_ =	shalt  }
0x48: {  	_ =	shalt  }
0x49: {  	_ =	shalt  }
0x4a: {  	_ =	shalt  }
0x4b: {  	_ =	shalt  }
0x4c: {  	_ =	shalt  }
0x4d: {  	_ =	shalt  }
0x4e: {  	_ =	shalt  }
0x4f: {  	_ =	shalt  }
0x50: {  	_ =	shalt  }
0x51: {  	_ =	shalt  }
0x52: {  	_ =	shalt  }
0x53: {  	_ =	shalt  }
0x54: {  	_ =	shalt  }
0x55: {  	_ =	shalt  }
0x56: {  	_ =	shalt  }
0x57: {  	_ =	shalt  }
0x58: {  	_ =	shalt  }
0x59: {  	_ =	shalt  }
0x5a: {  	_ =	shalt  }
0x5b: {  	_ =	shalt  }
0x5c: {  	_ =	shalt  }
0x5d: {  	_ =	shalt  }
0x5e: {  	_ =	shalt  }
0x5f: {  	_ =	shalt  }
0x60: {  	_ =	shalt  }
0x61: {  	_ =	shalt  }
0x62: {  	_ =	shalt  }
0x63: {  	_ =	shalt  }
0x64: {  	_ =	shalt  }
0x65: {  	_ =	shalt  }
0x66: {  	_ =	shalt  }
0x67: {  	_ =	shalt  }
0x68: {  	_ =	shalt  }
0x69: {  	_ =	shalt  }
0x6a: {  	_ =	shalt  }
0x6b: {  	_ =	shalt  }
0x6c: {  	_ =	shalt  }
0x6d: {  	_ =	shalt  }
0x6e: {  	_ =	shalt  }
0x6f: {  	_ =	shalt  }
0x70: {  	_ =	shalt  }
0x71: {  	_ =	shalt  }
0x72: {  	_ =	shalt  }
0x73: {  	_ =	shalt  }
0x74: {  	_ =	shalt  }
0x75: {  	_ =	shalt  }
0x76: {  	_ =	shalt  }
0x77: {  	_ =	shalt  }
0x78: {  	_ =	shalt  }
0x79: {  	_ =	shalt  }
0x7a: {  	_ =	shalt  }
0x7b: {  	_ =	shalt  }
0x7c: {  	_ =	shalt  }
0x7d: {  	_ =	shalt  }
0x7e: {  	_ =	shalt  }
0x7f: {  	_ =	shalt  }
0x80: {  	_ =	shalt  }
0x81: {  	_ =	shalt  }
0x82: {  	_ =	shalt  }
0x83: {  	_ =	shalt  }
0x84: {  	_ =	shalt  }
0x85: {  	_ =	shalt  }
0x86: {  	_ =	shalt  }
0x87: {  	_ =	shalt  }
.Lfunc_end0:
.L_simem_size_0:
called_computation.1_lowered:
.L_overlay_start_0:
0x88: {  	s2 =	sld [smem:$0x3FD9]  }
0x89: {  	s3 =	sld [smem:$0x3FFE];
	_ =	sdelay $0x1  }
0x8a: {  	s1 =	srdreg.scid  }
0x8b: {  	s0 =	sand.u32 $0x1, s1  }
0x8c: {  	s16 =	sshll.u32 s0, $0xA;
	s2 =	sadd.s32 s3, s2  }
0x8d: {  	s2 =	sadd.s32 s2, s16  }
0x8e: {  	[smem:$0x3FC5] =	sst s2  }
0x8f: {  	_ = 	snop  }
0x90: {  	(tm) =	ssettm $0x1  }
0x91: {  	s17 =	sld [smem:$0x3FFB];
	_ =	sdelay $0x3  }
0x92: {  	_ =	strace s17  }
0x93: {  	s2 =	sld [smem:$0x3FFC];
	_ =	sdelay $0x3  }
0x94: {  	_ =	strace s2  }
0x95: {  	s2 =	sld [smem:$0x3FFD];
	_ =	sdelay $0x3  }
0x96: {  	_ =	strace s2  }
0x97: {  	_ =	strace $0x8FFFFFFF  }
0x98: {  	s18 =	sld [smem:$0x3FDB];
	_ =	sdelay $0x1  }
0x99: {  	s19 =	simm.s32 $_scs_section_size  }
0x9a: {  	s4 =	simm.s32 $_size__tile_overlayer_lowered;
	s5 =	simm.s32 $_tile_overlayer_lowered  }
0x9b: {  	s22 =	simm.s32 $0x1BFF;
	s21 =	sshll.u32 s5, $0x1;
	s2 =	sadd.s32 s19, s18  }
0x9c: {  	s6 =	simm.s32 $0x0;
	s20 =	sshll.u32 s4, $0x1;
	s4 =	sadd.s32 s21, s2  }
0x9d: {  	[timem:s6], [sflag:s22] =	dma.local [hbm:s4], s20  }
0x9e: {  	_ =	swait.ge [sflag:s22], s20  }
0x9f: {  	s3 =	ssub.s32 $0x0, s20;
	[sflag:s22] =	ssyncset.done $0x0  }
0xa0: {  	[sflag:s22] =	ssyncadd.s32 s3;
	_ =	sdelay $0x1  }
0xa1: {  	s23 =	simm.s32 $0x1B8B  }
0xa2: {  	_ =	swait.ge [sflag:s23], $0x1  }
0xa3: {  	[sflag:s23] =	ssyncset.done $0x0  }
0xa4: {  	s25 =	simm.s32 $0x1B8E;
	s24 =	sld [smem:$0x3FFE];
	[sflag:s23] =	ssyncadd.s32 $0xFFFFFFFF  }
0xa5: {  	s26 =	simm.s32 $execute0_lowered;
	[smem:$0x3FD2] =	sst s25  }
0xa6: {  	s4 =	sshll.u32 s26, $0x1;
	_ =	strace $0x80000049;
	[dreg:$0x1] =	wrdreg $0xFFFFFFFF  }
0xa7: {  	s28 =	simm.s32 $_size_execute0_lowered;
	s2 =	sadd.s32 s2, s4;
	[dreg:$0x0] =	wrdreg $0x0  }
0xa8: {  	s4 =	sshll.u32 s28, $0x1;
	[dreg:$0x2] =	wrdreg s2  }
0xa9: {  	[dreg:$0x3] =	wrdreg s4  }
0xaa: {  	[dreg:$0x4] =	wrdreg $0xC0  }
0xab: {  	_ =	task [dreg:s6], $0x5FFFF  }
0xac: {  	[dreg:$0x1] =	wrdreg $0xFFFFFFFF  }
0xad: {  	[dreg:$0x0] =	wrdreg $0x60  }
0xae: {  	[dreg:$0x2] =	wrdreg s24  }
0xaf: {  	[dreg:$0x3] =	wrdreg $0x9  }
0xb0: {  	_ =	task.clear_ibuf [dreg:s6], $0x4FFFF;
	_ =	strace $0x90000049  }
0xb1: {  	s29 =	simm.s32 $0x9;
	_ =	strace $0x8000004B  }
0xb2: {  	_ =	swait.ge [sflag:s29], $0x1  }
0xb3: {  	[sflag:s29] =	ssyncadd.s32 $0xFFFFFFFF  }
0xb4: {  	_ =	strace $0x9000004B  }
0xb5: {  	_ =	sfence  }
0xb6: {  	s30 =	sld [smem:$0x0];
	_ =	sdelay $0x2  }
0xb7: {  	s31 =	sshll.u32 s1, $0xD;
	s1 =	sshrl.u32 s1, $0x2  }
0xb8: {  	s3 =	sand.u32 $0x4000, s31;
	s1 =	sadd.s32 s1, s30  }
0xb9: {  	s0 =	sor.u32 s3, s0;
	s1 =	sshll.u32 s1, $0x11  }
0xba: {  	s0 =	sor.u32 s1, s0  }
0xbb: {  	s0 =	sadd.s32 $0x8F2B, s0  }
0xbc: {  	[sflag:s0] =	ssyncadd.remote.s32 $0x1  }
0xbd: {  	_ =	sfence.sel $0xFFFF  }
0xbe: {  	[dreg:$0x0] =	wrdreg $0xFFFFFFFF;
	(pc) =	sbr.abs _section_cstart, $3  }
0xbf: {  	[dreg:$0x1] =	wrdreg $0xFFFFFFFF  }
0xc0: {  	_ =	task.clear_ibuf [dreg:s6], $0x2FFFF;
	_ =	strace $0x9FFFFFFF  }
0xc1: {  	(tm) =	ssettm $0x7FFFFFFF  }
tec
execute0_lowered:
.L_overlay_start_1:
0x0: {  	(tag) =	ssettag $0x1  }
0x1: {  	s1 =	srdreg.scid  }
0x2: {  	s0 =	stileid.u32;
	s2 =	rddreg [dreg:$0x0];
	s6 =	simm.s32 $0x1  }
0x3: {  	s9 =	simm.s32 $0x1;
	s10 =	simm.s32 $0x3;
	s1 =	sshll.u32 s1, $0x8  }
0x4: {  	s13 =	simm.s32 $0x0;
	s3 =	sshll.u32 s0, $0x9;
	s4 =	sand.u32 $0x100, s1  }
0x5: {  	s12 =	simm.s32 $0x0;
	s5 =	sadd.s32 $0x1800, s2;
	s3 =	sor.u32 s3, s4  }
0x6: {  	s1 =	rddreg [dreg:$0x1];
	_ =	strace $0x8000004A;
	s8 =	ssub.s32 $0x4000, s3  }
.Ltmp0:
0x7: {  	s4 =	sadd.s32 $0x800, s2;
	s7 =	sand.u32 $0x1F00, s8;
	(pc) =	sbr.rel .LBB2_1-.Ltmp0, $4  }
0x8: {  	[sflag:s6] =	ssyncpa.u1 $0x0;
	s11 =	smov.u32 s3;
	p0 =	sne.s32 s7, $0x0  }
0x9: {  	s8 =	sshrl.u32 s8, $0xD;
	s7 =	simm.s32 $0x2;
	s9 =	simm.s32 @!p0 $0x0  }
0xa: {  	[sflag:s7] =	ssyncpa.u1 $0x0;
	p0 =	por $0x0, $0x0;
	s8 =	sadd.s32 s9, s8  }
0xb: {  	vm0 =	vmmov $0xffff;
	[sflag:s10] =	ssyncpa.u1 $0x0;
	s10 =	simm.s32 $0x0;
	s9 =	sadd.s32 $0x1, s8  }
.LBB2_4:
0xc: {  	v2 =	vnsel vm1, $0x0, v2  }
0xd: {  	vm1 =	vgt.s32 v0, $0x0;
	v2 =	vmin.u32 v2, $0x3FFF  }
0xe: {  	v0 =	vnsel vm1, $0x0, v0  }
0xf: {  	v0 =	vmin.u32 v0, $0x3FFF  }
0x10: {  	[tilespmem:s15], [sflag:$0x1] =	stream.indirect_vreg.gather [hbm4b:s2+s10], $0x1, v1, vm0, $0x4038;
	[tilespmem:$0x400] =	vst v63  }
0x11: {  	(ifvalue) =	ssetifvalue $0x7FFFFFFF  }
0x12: {  	[tilespmem:s16], [sflag:$0x1] =	stream.indirect_vreg.gather [hbm4b:s2+s10], $0x1, v2, vm0, $0x4038;
	[tilespmem:$0x400] =	vst v63  }
0x13: {  	s29 =	sadd.s32 $0x10, s16;
	(ifvalue) =	ssetifvalue $0x7FFFFFFF  }
0x14: {  	[tilespmem:s29], [sflag:$0x1] =	stream.indirect_vreg.gather [hbm4b:s2+s10], $0x1, v0, vm0, $0x4038;
	[tilespmem:$0x400] =	vst v63  }
0x15: {  	_ =	swait.ge [sflag:s6], $0x100  }
0x16: {  	s30 =	sshrl.u32 s13, $0x3;
	[sflag:s6] =	ssyncset.done $0x0  }
0x17: {  	s31 =	sand.u32 $0x7, s13;
	s15 =	sadd.s32 s5, s30;
	[sflag:s6] =	ssyncadd.s32 $0xFFFFFF00  }
0x18: {  	[hbm4b:s15+s31] =	stream.linear.scatter [tilespmem:s14], [sflag:$0x3], $0x100, $0x38;
	[tilespmem:$0x400] =	vst v63  }
.LBB2_5:
0x19: {  	s15 =	sadd.s32 $0x2000, s11  }
0x1a: {  	p2 =	sgt.s32 s15, $0x3FFF  }
0x1b: {  	s15 =	smov.u32 @p2 s3;
	p2 =	sne.s32 s12, s9  }
.Ltmp1:
0x1c: {  	p1 =	slt.u32 s12, $0x2;
	(pc) =	sbr.rel @!p2 .LBB2_6-.Ltmp1, $4  }
0x1d: {  	s14 =	simm.s32 @!p1 $0x3  }
0x1e: {  	s16 =	sadd.s32 $0x1, s12;
	_ =	swait.ge @!p1 [sflag:s14], $0x100  }
0x1f: {  	s13 =	smov.u32 s11;
	p0 =	por !p0, !p0;
	[sflag:s14] =	ssyncset.done @!p1 $0x0  }
0x20: {  	s12 =	smov.u32 s16;
	s11 =	smov.u32 s15;
	[sflag:s14] =	ssyncadd.s32 @!p1 $0xFFFFFF00  }
.LBB2_1:
0x21: {  	p1 =	sge.u32 s12, s8  }
0x22: {  	s14 =	sxor.u32 @!p1 $0xFFFFFFFF, s12  }
0x23: {  	s31 =	sadd.s32 $0xFFFFFFFF, s12;
	s15 =	sshrl.u32 @!p1 s11, $0x3;
	s14 =	sshll.u32 @!p1 s14, $0x8  }
0x24: {  	s16 =	sand.u32 @!p1 $0x7, s11;
	s15 =	sadd.s32 @!p1 s4, s15;
	s14 =	sand.u32 @!p1 $0x100, s14  }
0x25: {  	[tilespmem:s14], [sflag:$0x2] =	stream.linear.gather @!p1 [hbm4b:s15+s16], $0x100, $0x38;
	[tilespmem:$0x400] =	vst v63  }
0x26: {  	p1 =	sge.u32 s31, s8  }
.Ltmp2:
0x27: {  	_ = 	snop;
	(pc) =	sbr.rel @p1 .LBB2_5-.Ltmp2, $1  }
0x28: {  	_ =	sdelay $0x3  }
0x29: {  	s14 =	simm.s32 $0x1  }
0x2a: {  	_ =	swait.ge [sflag:s7], $0x100;
	s14 =	simm.s32 @!p0 $0x0  }
0x2b: {  	[sflag:s7] =	ssyncset.done $0x0;
	s14 =	sshll.u32 s14, $0x8  }
0x2c: {  	[sflag:s7] =	ssyncadd.s32 $0xFFFFFF00;
	(ifvalue) =	ssetifvalue $0x7FFFFFFF;
	v0 =	vld.msk [tilespmem:s14+$0x0 ss:$0x1], $0xffff;
	_ =	sdelay $0x4  }
0x2d: {  	s15 =	sadd.s32 $0x10, s14;
	vm1 =	vgt.s32 v0, $0x0  }
0x2e: {  	v2 =	vld.msk [tilespmem:s15+$0x0 ss:$0x1], $0xffff;
	v1 =	vnsel vm1, $0x0, v0  }
0x2f: {  	v1 =	vmin.u32 v1, $0x3FFF;
	_ =	sdelay $0x1  }
0x30: {  	s16 =	sshll.u32 s12, $0x8;
	s18 =	simm.s32 $0x20  }
0x31: {  	s16 =	sand.u32 $0x100, s16;
	s17 =	sadd.s32 $0x10, s15;
	s15 =	sor.u32 $0x200, s14  }
0x32: {  	s14 =	sor.u32 $0x200, s16;
	s16 =	sadd.s32 $0x10, s15;
	v0 =	vld.msk [tilespmem:s17+$0x0 ss:$0x1], $0xffff;
	vm1 =	vgt.s32 v2, $0x0;
	(ifvalue) =	ssetifvalue $0x7FFFFFFF  }
.LBB2_3:
0x33: {  	[tilespmem:s15], [sflag:$0x1] =	stream.indirect_vreg.gather [hbm4b:s2+s10], $0x1, v1, vm0, $0x4038;
	[tilespmem:$0x400] =	vst v63  }
0x34: {  	s18 =	sadd.s32 $0x10, s18  }
0x35: {  	v2 =	vnsel vm1, $0x0, v2;
	p1 =	slt.u32 s18, $0xF0  }
.Ltmp3:
0x36: {  	s15 =	smov.u32 s16;
	v1 =	vmin.u32 v2, $0x3FFF;
	(pc) =	sbr.rel @p1 .LBB2_3-.Ltmp3, $3  }
0x37: {  	_ =	sdelay $0x1  }
0x38: {  	s17 =	sadd.s32 $0x10, s17  }
0x39: {  	vm1 =	vgt.s32 v0, $0x0;
	s16 =	sadd.s32 $0x10, s16;
	v2 =	vmov v0;
	(ifvalue) =	ssetifvalue $0x7FFFFFFF;
	v0 =	vld.msk [tilespmem:s17+$0x0 ss:$0x1], $0xffff  }
.Ltmp4:
0x3a: {  	_ = 	snop;
	(pc) =	sbr.rel .LBB2_4-.Ltmp4, $1  }
0x3b: {  	_ =	sdelay $0x3  }
.LBB2_6:
0x3c: {  	_ =	sfence.sel $0x180000  }
0x3d: {  	s2 =	simm.s32 $0x2;
	[bflag:$0x0] =	sbarrier.arrive $0xFFFF  }
0x3e: {  	s30 =	simm.s32 $0x3;
	[sflag:s2] =	ssyncpa.u1 $0x1  }
0x3f: {  	s31 =	simm.s32 $0x1;
	[sflag:s30] =	ssyncpa.u1 $0x1  }
0x40: {  	[sflag:s31] =	ssyncpa.u1 $0x1  }
0x41: {  	p0 =	sne.s32 s0, $0x0;
	_ =	strace $0x9000004A  }
0x42: {  	s0 =	sadd.s32 @!p0 $0x100000, s1;
	[bflag:$0x2] =	sbarrier.arrive $0xFFFF  }
0x43: {  	[sflag:s0] =	ssyncadd.tile.s32 @!p0 $0x1;
	_ =	shalt  }
.Lfunc_end2:
_tile_overlayer_lowered:
.L_overlay_start_2:
0x44: {  	(tag) =	ssettag $0x2  }
0x45: {  	s0 =	rddreg [dreg:$0x0];
	s2 =	stileid.u32  }
0x46: {  	s1 =	rddreg [dreg:$0x1];
	p0 =	sne.s32 s2, $0x0  }
0x47: {  	s3 =	rddreg [dreg:$0x2];
	[bflag:$0x3] =	sbarrier.arrive $0xFFFF;
	s2 =	simm.s32 @!p0 $0x1C01  }
0x48: {  	[timem:s3], [sflag:s2] =	dma.local @!p0 [hbm:s0], s1  }
0x49: {  	s0 =	simm.s32 @!p0 $0x1  }
0x4a: {  	_ =	swait.ge @!p0 [sflag:s0], s1  }
0x4b: {  	s1 =	ssub.s32 @!p0 $0x0, s1;
	[sflag:s0] =	ssyncset.done @!p0 $0x0  }
0x4c: {  	[sflag:s0] =	ssyncadd.s32 @!p0 s1  }
0x4d: {  	[bflag:$0x3] =	sbarrier.arrive $0xFFFF  }
0x4e: {  	_ =	shalt  }

// kernel: gather_offload_async_start
scs
__scs_entry_jumppad:
0x0: {  	(pc) =	sbr.rel $0x88, $3  }
0x1: {  	(tag) =	ssettag $0x0;
	lr =	simm.s32 $0x1  }
0x2: {  	[smem:$0x3F9E] =	sst lr;
	_ =	strace $0xD0000000  }
0x3: {  	_ = 	snop  }
0x4: {  	_ = 	snop  }
0x5: {  	_ = 	snop  }
0x6: {  	_ = 	snop  }
0x7: {  	_ = 	snop  }
__scs_overlays_trampoline_lowered:
0x8: {  	[smem:$0x3FAD] =	sst s0  }
0x9: {  	[smem:$0x3FAE] =	sst s1  }
0xa: {  	[smem:$0x3FAF] =	sst s2  }
0xb: {  	[smem:$0x3FB0] =	sst s3  }
0xc: {  	[smem:$0x3FB1] =	sst s4  }
0xd: {  	[smem:$0x3FB2] =	sst s5  }
0xe: {  	[smem:$0x3FB3] =	sst s6  }
0xf: {  	[smem:$0x3FB4] =	sst s7  }
0x10: {  	[smem:$0x3FB5] =	sst s8  }
0x11: {  	[smem:$0x3FB6] =	sst s9;
	s0 =	simm.s32 @!p0 $0x0  }
0x12: {  	s1 =	sld [smem:$0x3F9C];
	s0 =	simm.s32 @p0 $0x1  }
0x13: {  	[smem:$0x3FB7] =	sst s0;
	s0 =	simm.s32 @!p1 $0x0  }
0x14: {  	s2 =	sld [smem:$0x3F9B];
	s0 =	simm.s32 @p1 $0x1  }
0x15: {  	[smem:$0x3FB8] =	sst s0;
	s0 =	simm.s32 @!p2 $0x0  }
0x16: {  	s3 =	sld [smem:$0x3FDB];
	s0 =	simm.s32 @p2 $0x1  }
0x17: {  	s4 =	simm.s32 $0x1BF5;
	[smem:$0x3FBA] =	sst s0  }
0x18: {  	s0 =	sld [smem:$0x3F9D];
	_ =	swait.ge [sflag:s4], $0x0  }
0x19: {  	s7 =	sld [smem:$0x3F9E]  }
0x1a: {  	s8 =	sadd.s32 $0xFFFFE003, lr  }
0x1b: {  	s9 =	sadd.s32 $0xFFFFFEF7, lr;
	s5 =	simm.s32 $0xFFFFFFFF;
	p2 =	slt.u32 s8, $0xFFFFF086  }
0x1c: {  	p1 =	slt.u32 s9, $0xF7A;
	s5 =	simm.s32 @!p2 $0x0  }
0x1d: {  	s5 =	simm.s32 @p1 $0x1;
	p0 =	seq.s32 s7, s2  }
0x1e: {  	s7 =	smul.u32 @!p0 $0xF7A, s2;
	p2 =	seq.s32 @!p0 s5, $0x0  }
0x1f: {  	s9 =	smul.u32 $0xF7A, s1;
	s8 =	simm.s32 @!p0 $0x1BF5;
	p2 =	por !p2, p0  }
0x20: {  	[sflag:s8] =	ssyncset.s32 @!p0 $0xFFFFF086;
	s6 =	sadd.s32 @!p0 s3, s7;
	s7 =	simm.s32 @!p0 $0x108  }
0x21: {  	s3 =	sadd.s32 s3, s9;
	s6 =	sadd.s32 @!p0 $0x88, s6;
	s7 =	simm.s32 @p2 $0x1082  }
0x22: {  	[simem:s7], [sflag:s8] =	dma.local @!p0 [hbm:s6], $0xF7A  }
0x23: {  	s9 =	sor.u32 $0xD0000000, s2;
	s6 =	simm.s32 $0x108;
	_ =	swait.ge @!p0 [sflag:s8], $0x0  }
0x24: {  	s3 =	sadd.s32 $0x88, s3;
	s6 =	simm.s32 @!p1 $0x1082;
	[sflag:s4] =	ssyncset.s32 $0xFFFFF086  }
0x25: {  	[simem:s6], [sflag:s4] =	dma.local [hbm:s3], $0xF7A  }
0x26: {  	[smem:$0x3F9E] =	sst s1;
	(tag) =	ssettag s2;
	_ =	strace s9  }
0x27: {  	s1 =	sld [smem:$0x3FAE]  }
0x28: {  	s2 =	sld [smem:$0x3FAF]  }
0x29: {  	s4 =	sld [smem:$0x3FB1]  }
0x2a: {  	p0 =	seq.s32 s5, $0x0;
	s5 =	sld [smem:$0x3FB2]  }
0x2b: {  	s6 =	sld [smem:$0x3FB3]  }
0x2c: {  	s7 =	sld [smem:$0x3FB4]  }
0x2d: {  	s3 =	simm.s32 $0x108;
	s8 =	sld [smem:$0x3FB5]  }
0x2e: {  	s3 =	simm.s32 @!p0 $0x1082;
	s9 =	sld [smem:$0x3FB6]  }
0x2f: {  	lr =	sadd.s32 s0, s3;
	s0 =	sld [smem:$0x3FAD]  }
0x30: {  	s3 =	sld [smem:$0x3FB0]  }
0x31: {  	[smem:$0x3FB9] =	sst s10  }
0x32: {  	s10 =	sld [smem:$0x3FB7];
	_ =	sdelay $0x3  }
0x33: {  	p0 =	seq.s32 s10, $0x1;
	s10 =	sld [smem:$0x3FB9];
	_ =	sdelay $0x3  }
0x34: {  	[smem:$0x3FB9] =	sst s10  }
0x35: {  	s10 =	sld [smem:$0x3FB8];
	_ =	sdelay $0x3  }
0x36: {  	p1 =	seq.s32 s10, $0x1;
	s10 =	sld [smem:$0x3FB9];
	_ =	sdelay $0x3  }
0x37: {  	[smem:$0x3FB9] =	sst s10  }
0x38: {  	s10 =	sld [smem:$0x3FBA]  }
0x39: {  	_ = 	snop;
	(pc) =	sbr.ind lr, $3  }
0x3a: {  	_ = 	snop  }
0x3b: {  	_ = 	snop  }
0x3c: {  	p2 =	seq.s32 s10, $0x1;
	s10 =	sld [smem:$0x3FB9]  }
0x3d: {  	_ =	shalt  }
0x3e: {  	_ =	shalt  }
0x3f: {  	_ =	shalt  }
0x40: {  	_ =	shalt  }
0x41: {  	_ =	shalt  }
0x42: {  	_ =	shalt  }
0x43: {  	_ =	shalt  }
0x44: {  	_ =	shalt  }
0x45: {  	_ =	shalt  }
0x46: {  	_ =	shalt  }
0x47: {  	_ =	shalt  }
0x48: {  	_ =	shalt  }
0x49: {  	_ =	shalt  }
0x4a: {  	_ =	shalt  }
0x4b: {  	_ =	shalt  }
0x4c: {  	_ =	shalt  }
0x4d: {  	_ =	shalt  }
0x4e: {  	_ =	shalt  }
0x4f: {  	_ =	shalt  }
0x50: {  	_ =	shalt  }
0x51: {  	_ =	shalt  }
0x52: {  	_ =	shalt  }
0x53: {  	_ =	shalt  }
0x54: {  	_ =	shalt  }
0x55: {  	_ =	shalt  }
0x56: {  	_ =	shalt  }
0x57: {  	_ =	shalt  }
0x58: {  	_ =	shalt  }
0x59: {  	_ =	shalt  }
0x5a: {  	_ =	shalt  }
0x5b: {  	_ =	shalt  }
0x5c: {  	_ =	shalt  }
0x5d: {  	_ =	shalt  }
0x5e: {  	_ =	shalt  }
0x5f: {  	_ =	shalt  }
0x60: {  	_ =	shalt  }
0x61: {  	_ =	shalt  }
0x62: {  	_ =	shalt  }
0x63: {  	_ =	shalt  }
0x64: {  	_ =	shalt  }
0x65: {  	_ =	shalt  }
0x66: {  	_ =	shalt  }
0x67: {  	_ =	shalt  }
0x68: {  	_ =	shalt  }
0x69: {  	_ =	shalt  }
0x6a: {  	_ =	shalt  }
0x6b: {  	_ =	shalt  }
0x6c: {  	_ =	shalt  }
0x6d: {  	_ =	shalt  }
0x6e: {  	_ =	shalt  }
0x6f: {  	_ =	shalt  }
0x70: {  	_ =	shalt  }
0x71: {  	_ =	shalt  }
0x72: {  	_ =	shalt  }
0x73: {  	_ =	shalt  }
0x74: {  	_ =	shalt  }
0x75: {  	_ =	shalt  }
0x76: {  	_ =	shalt  }
0x77: {  	_ =	shalt  }
0x78: {  	_ =	shalt  }
0x79: {  	_ =	shalt  }
0x7a: {  	_ =	shalt  }
0x7b: {  	_ =	shalt  }
0x7c: {  	_ =	shalt  }
0x7d: {  	_ =	shalt  }
0x7e: {  	_ =	shalt  }
0x7f: {  	_ =	shalt  }
0x80: {  	_ =	shalt  }
0x81: {  	_ =	shalt  }
0x82: {  	_ =	shalt  }
0x83: {  	_ =	shalt  }
0x84: {  	_ =	shalt  }
0x85: {  	_ =	shalt  }
0x86: {  	_ =	shalt  }
0x87: {  	_ =	shalt  }
.Lfunc_end0:
.L_simem_size_0:
called_computation_lowered:
.L_overlay_start_0:
0x88: {  	s2 =	sld [smem:$0x3FD9]  }
0x89: {  	s3 =	sld [smem:$0x3FFE];
	_ =	sdelay $0x1  }
0x8a: {  	s1 =	srdreg.scid  }
0x8b: {  	s0 =	sand.u32 $0x1, s1  }
0x8c: {  	s17 =	sshll.u32 s0, $0xA;
	s2 =	sadd.s32 s3, s2  }
0x8d: {  	s2 =	sadd.s32 s2, s17  }
0x8e: {  	[smem:$0x3FC5] =	sst s2  }
0x8f: {  	_ = 	snop  }
0x90: {  	s2 =	sld [smem:$0x3FC8];
	(tm) =	ssettm $0x1  }
0x91: {  	s18 =	sld [smem:$0x3FFB];
	_ =	sdelay $0x3  }
0x92: {  	_ =	strace s18  }
0x93: {  	s3 =	sld [smem:$0x3FFC];
	_ =	sdelay $0x3  }
0x94: {  	_ =	strace s3  }
0x95: {  	s3 =	sld [smem:$0x3FFD];
	_ =	sdelay $0x3  }
0x96: {  	_ =	strace s3  }
0x97: {  	_ =	strace $0x8FFFFFFF  }
0x98: {  	s19 =	sld [smem:$0x3FDB];
	_ =	sdelay $0x1  }
0x99: {  	s4 =	simm.s32 $_scs_section_size  }
0x9a: {  	s5 =	simm.s32 $_size__tile_overlayer_lowered;
	s6 =	simm.s32 $_tile_overlayer_lowered  }
0x9b: {  	s22 =	simm.s32 $0x1BFF;
	s21 =	sshll.u32 s6, $0x1;
	s3 =	sadd.s32 s4, s19  }
0x9c: {  	s7 =	simm.s32 $0x0;
	s20 =	sshll.u32 s5, $0x1;
	s5 =	sadd.s32 s21, s3  }
0x9d: {  	[timem:s7], [sflag:s22] =	dma.local [hbm:s5], s20  }
0x9e: {  	_ =	swait.ge [sflag:s22], s20  }
0x9f: {  	s4 =	ssub.s32 $0x0, s20;
	[sflag:s22] =	ssyncset.done $0x0  }
0xa0: {  	[sflag:s22] =	ssyncadd.s32 s4;
	_ =	sdelay $0x1  }
0xa1: {  	s23 =	simm.s32 $0x1B8B  }
0xa2: {  	_ =	swait.ge [sflag:s23], $0x1  }
0xa3: {  	[sflag:s23] =	ssyncset.done $0x0  }
0xa4: {  	s25 =	simm.s32 $0x1B8E;
	s24 =	sld [smem:$0x3FFE];
	[sflag:s23] =	ssyncadd.s32 $0xFFFFFFFF  }
0xa5: {  	s26 =	simm.s32 $execute0_lowered;
	[smem:$0x3FD2] =	sst s25  }
0xa6: {  	s5 =	sshll.u32 s26, $0x1;
	_ =	strace $0x80000046;
	[dreg:$0x1] =	wrdreg $0xFFFFFFFF  }
0xa7: {  	s28 =	simm.s32 $_size_execute0_lowered;
	s3 =	sadd.s32 s3, s5;
	[dreg:$0x0] =	wrdreg $0x0  }
0xa8: {  	s5 =	sshll.u32 s28, $0x1;
	[dreg:$0x2] =	wrdreg s3  }
0xa9: {  	[dreg:$0x3] =	wrdreg s5  }
0xaa: {  	[dreg:$0x4] =	wrdreg $0xC0  }
0xab: {  	_ =	task [dreg:s7], $0x5FFFF  }
0xac: {  	[dreg:$0x1] =	wrdreg $0xFFFFFFFF  }
0xad: {  	[dreg:$0x0] =	wrdreg $0x60  }
0xae: {  	[dreg:$0x2] =	wrdreg s2  }
0xaf: {  	[dreg:$0x3] =	wrdreg s24  }
0xb0: {  	[dreg:$0x4] =	wrdreg $0x9  }
0xb1: {  	_ =	task.clear_ibuf [dreg:s7], $0x5FFFF;
	_ =	strace $0x90000046  }
0xb2: {  	s29 =	simm.s32 $0x9;
	_ =	strace $0x80000048  }
0xb3: {  	_ =	swait.ge [sflag:s29], $0x1  }
0xb4: {  	[sflag:s29] =	ssyncadd.s32 $0xFFFFFFFF  }
0xb5: {  	_ =	strace $0x90000048  }
0xb6: {  	_ =	sfence  }
0xb7: {  	s30 =	sld [smem:$0x0];
	_ =	sdelay $0x2  }
0xb8: {  	s31 =	sshll.u32 s1, $0xD;
	s1 =	sshrl.u32 s1, $0x2  }
0xb9: {  	s3 =	sand.u32 $0x4000, s31;
	s1 =	sadd.s32 s1, s30  }
0xba: {  	s0 =	sor.u32 s3, s0;
	s1 =	sshll.u32 s1, $0x11  }
0xbb: {  	s0 =	sor.u32 s1, s0  }
0xbc: {  	s0 =	sadd.s32 $0x8F2B, s0  }
0xbd: {  	[sflag:s0] =	ssyncadd.remote.s32 $0x1  }
0xbe: {  	_ =	sfence.sel $0xFFFF  }
0xbf: {  	[dreg:$0x0] =	wrdreg $0xFFFFFFFF;
	(pc) =	sbr.abs _section_cstart, $3  }
0xc0: {  	[dreg:$0x1] =	wrdreg $0xFFFFFFFF  }
0xc1: {  	_ =	task.clear_ibuf [dreg:s7], $0x2FFFF;
	_ =	strace $0x9FFFFFFF  }
0xc2: {  	(tm) =	ssettm $0x7FFFFFFF  }
0xc3: {  	_ =	shalt  }
tec
execute0_lowered:
.L_overlay_start_1:
0x0: {  	(tag) =	ssettag $0x1  }
0x1: {  	s1 =	srdreg.scid;
	s2 =	rddreg [dreg:$0x0]  }
0x2: {  	s0 =	stileid.u32;
	s5 =	rddreg [dreg:$0x1];
	s6 =	simm.s32 $0x1  }
0x3: {  	s9 =	simm.s32 $0x1;
	s10 =	simm.s32 $0x3;
	s1 =	sshll.u32 s1, $0x8  }
0x4: {  	s13 =	simm.s32 $0x0;
	s3 =	sshll.u32 s0, $0x9;
	s4 =	sand.u32 $0x100, s1  }
0x5: {  	s12 =	simm.s32 $0x0;
	s1 =	rddreg [dreg:$0x2];
	s3 =	sor.u32 s3, s4  }
0x6: {  	_ =	strace $0x80000047;
	s4 =	sadd.s32 $0x800, s5;
	s8 =	ssub.s32 $0x4000, s3  }
.Ltmp0:
0x7: {  	s5 =	sadd.s32 $0x1000, s5;
	s7 =	sand.u32 $0x1F00, s8;
	(pc) =	sbr.rel .LBB2_1-.Ltmp0, $4  }
0x8: {  	[sflag:s6] =	ssyncpa.u1 $0x0;
	s11 =	smov.u32 s3;
	p0 =	sne.s32 s7, $0x0  }
0x9: {  	s8 =	sshrl.u32 s8, $0xD;
	s7 =	simm.s32 $0x2;
	s9 =	simm.s32 @!p0 $0x0  }
0xa: {  	[sflag:s7] =	ssyncpa.u1 $0x0;
	p0 =	por $0x0, $0x0;
	s8 =	sadd.s32 s9, s8  }
0xb: {  	vm0 =	vmmov $0xffff;
	[sflag:s10] =	ssyncpa.u1 $0x0;
	s10 =	simm.s32 $0x0;
	s9 =	sadd.s32 $0x1, s8  }
.LBB2_4:
0xc: {  	v2 =	vnsel vm1, $0x0, v2  }
0xd: {  	vm1 =	vgt.s32 v0, $0x0;
	v2 =	vmin.u32 v2, $0x3FFF  }
0xe: {  	v0 =	vnsel vm1, $0x0, v0  }
0xf: {  	v0 =	vmin.u32 v0, $0x3FFF  }
0x10: {  	[tilespmem:s15], [sflag:$0x1] =	stream.indirect_vreg.gather [hbm4b:s2+s10], $0x1, v1, vm0, $0x4038;
	[tilespmem:$0x400] =	vst v63  }
0x11: {  	(ifvalue) =	ssetifvalue $0x7FFFFFFF  }
0x12: {  	[tilespmem:s16], [sflag:$0x1] =	stream.indirect_vreg.gather [hbm4b:s2+s10], $0x1, v2, vm0, $0x4038;
	[tilespmem:$0x400] =	vst v63  }
0x13: {  	s29 =	sadd.s32 $0x10, s16;
	(ifvalue) =	ssetifvalue $0x7FFFFFFF  }
0x14: {  	[tilespmem:s29], [sflag:$0x1] =	stream.indirect_vreg.gather [hbm4b:s2+s10], $0x1, v0, vm0, $0x4038;
	[tilespmem:$0x400] =	vst v63  }
0x15: {  	_ =	swait.ge [sflag:s6], $0x100  }
0x16: {  	s30 =	sshrl.u32 s13, $0x3;
	[sflag:s6] =	ssyncset.done $0x0  }
0x17: {  	s31 =	sand.u32 $0x7, s13;
	s15 =	sadd.s32 s5, s30;
	[sflag:s6] =	ssyncadd.s32 $0xFFFFFF00  }
0x18: {  	[hbm4b:s15+s31] =	stream.linear.scatter [tilespmem:s14], [sflag:$0x3], $0x100, $0x38;
	[tilespmem:$0x400] =	vst v63  }
.LBB2_5:
0x19: {  	s15 =	sadd.s32 $0x2000, s11  }
0x1a: {  	p2 =	sgt.s32 s15, $0x3FFF  }
0x1b: {  	s15 =	smov.u32 @p2 s3;
	p2 =	sne.s32 s12, s9  }
.Ltmp1:
0x1c: {  	p1 =	slt.u32 s12, $0x2;
	(pc) =	sbr.rel @!p2 .LBB2_6-.Ltmp1, $4  }
0x1d: {  	s14 =	simm.s32 @!p1 $0x3  }
0x1e: {  	s16 =	sadd.s32 $0x1, s12;
	_ =	swait.ge @!p1 [sflag:s14], $0x100  }
0x1f: {  	s13 =	smov.u32 s11;
	p0 =	por !p0, !p0;
	[sflag:s14] =	ssyncset.done @!p1 $0x0  }
0x20: {  	s12 =	smov.u32 s16;
	s11 =	smov.u32 s15;
	[sflag:s14] =	ssyncadd.s32 @!p1 $0xFFFFFF00  }
.LBB2_1:
0x21: {  	p1 =	sge.u32 s12, s8  }
0x22: {  	s14 =	sxor.u32 @!p1 $0xFFFFFFFF, s12  }
0x23: {  	s31 =	sadd.s32 $0xFFFFFFFF, s12;
	s15 =	sshrl.u32 @!p1 s11, $0x3;
	s14 =	sshll.u32 @!p1 s14, $0x8  }
0x24: {  	s16 =	sand.u32 @!p1 $0x7, s11;
	s15 =	sadd.s32 @!p1 s4, s15;
	s14 =	sand.u32 @!p1 $0x100, s14  }
0x25: {  	[tilespmem:s14], [sflag:$0x2] =	stream.linear.gather @!p1 [hbm4b:s15+s16], $0x100, $0x38;
	[tilespmem:$0x400] =	vst v63  }
0x26: {  	p1 =	sge.u32 s31, s8  }
.Ltmp2:
0x27: {  	_ = 	snop;
	(pc) =	sbr.rel @p1 .LBB2_5-.Ltmp2, $1  }
0x28: {  	_ =	sdelay $0x3  }
0x29: {  	s14 =	simm.s32 $0x1  }
0x2a: {  	_ =	swait.ge [sflag:s7], $0x100;
	s14 =	simm.s32 @!p0 $0x0  }
0x2b: {  	[sflag:s7] =	ssyncset.done $0x0;
	s14 =	sshll.u32 s14, $0x8  }
0x2c: {  	[sflag:s7] =	ssyncadd.s32 $0xFFFFFF00;
	(ifvalue) =	ssetifvalue $0x7FFFFFFF;
	v0 =	vld.msk [tilespmem:s14+$0x0 ss:$0x1], $0xffff;
	_ =	sdelay $0x4  }
0x2d: {  	s15 =	sadd.s32 $0x10, s14;
	vm1 =	vgt.s32 v0, $0x0  }
0x2e: {  	v2 =	vld.msk [tilespmem:s15+$0x0 ss:$0x1], $0xffff;
	v1 =	vnsel vm1, $0x0, v0  }
0x2f: {  	v1 =	vmin.u32 v1, $0x3FFF;
	_ =	sdelay $0x1  }
0x30: {  	s16 =	sshll.u32 s12, $0x8;
	s18 =	simm.s32 $0x20  }
0x31: {  	s16 =	sand.u32 $0x100, s16;
	s17 =	sadd.s32 $0x10, s15;
	s15 =	sor.u32 $0x200, s14  }
0x32: {  	s14 =	sor.u32 $0x200, s16;
	s16 =	sadd.s32 $0x10, s15;
	v0 =	vld.msk [tilespmem:s17+$0x0 ss:$0x1], $0xffff;
	vm1 =	vgt.s32 v2, $0x0;
	(ifvalue) =	ssetifvalue $0x7FFFFFFF  }
.LBB2_3:
0x33: {  	[tilespmem:s15], [sflag:$0x1] =	stream.indirect_vreg.gather [hbm4b:s2+s10], $0x1, v1, vm0, $0x4038;
	[tilespmem:$0x400] =	vst v63  }
0x34: {  	s18 =	sadd.s32 $0x10, s18  }
0x35: {  	v2 =	vnsel vm1, $0x0, v2;
	p1 =	slt.u32 s18, $0xF0  }
.Ltmp3:
0x36: {  	s15 =	smov.u32 s16;
	v1 =	vmin.u32 v2, $0x3FFF;
	(pc) =	sbr.rel @p1 .LBB2_3-.Ltmp3, $3  }
0x37: {  	_ =	sdelay $0x1  }
0x38: {  	s17 =	sadd.s32 $0x10, s17  }
0x39: {  	vm1 =	vgt.s32 v0, $0x0;
	s16 =	sadd.s32 $0x10, s16;
	v2 =	vmov v0;
	(ifvalue) =	ssetifvalue $0x7FFFFFFF;
	v0 =	vld.msk [tilespmem:s17+$0x0 ss:$0x1], $0xffff  }
.Ltmp4:
0x3a: {  	_ = 	snop;
	(pc) =	sbr.rel .LBB2_4-.Ltmp4, $1  }
0x3b: {  	_ =	sdelay $0x3  }
.LBB2_6:
0x3c: {  	_ =	sfence.sel $0x180000  }
0x3d: {  	s2 =	simm.s32 $0x2;
	[bflag:$0x0] =	sbarrier.arrive $0xFFFF  }
0x3e: {  	s30 =	simm.s32 $0x3;
	[sflag:s2] =	ssyncpa.u1 $0x1  }
0x3f: {  	s31 =	simm.s32 $0x1;
	[sflag:s30] =	ssyncpa.u1 $0x1  }
0x40: {  	[sflag:s31] =	ssyncpa.u1 $0x1  }
0x41: {  	p0 =	sne.s32 s0, $0x0;
	_ =	strace $0x90000047  }
0x42: {  	s0 =	sadd.s32 @!p0 $0x100000, s1;
	[bflag:$0x2] =	sbarrier.arrive $0xFFFF  }
0x43: {  	[sflag:s0] =	ssyncadd.tile.s32 @!p0 $0x1;
	_ =	shalt  }
.Lfunc_end2:
_tile_overlayer_lowered:
.L_overlay_start_2:
0x44: {  	(tag) =	ssettag $0x2  }
0x45: {  	s0 =	rddreg [dreg:$0x0];
	s2 =	stileid.u32  }
0x46: {  	s1 =	rddreg [dreg:$0x1];
	p0 =	sne.s32 s2, $0x0  }
0x47: {  	s3 =	rddreg [dreg:$0x2];
	[bflag:$0x3] =	sbarrier.arrive $0xFFFF;
	s2 =	simm.s32 @!p0 $0x1C01  }
0x48: {  	[timem:s3], [sflag:s2] =	dma.local @!p0 [hbm:s0], s1  }
0x49: {  	s0 =	simm.s32 @!p0 $0x1  }
0x4a: {  	_ =	swait.ge @!p0 [sflag:s0], s1  }
0x4b: {  	s1 =	ssub.s32 @!p0 $0x0, s1;
	[sflag:s0] =	ssyncset.done @!p0 $0x0  }
0x4c: {  	[sflag:s0] =	ssyncadd.s32 @!p0 s1  }
0x4d: {  	[bflag:$0x3] =	sbarrier.arrive $0xFFFF  }
0x4e: {  	_ =	shalt  }

// kernel: kernel.4.cloned.1.call-start
scs
__scs_entry_jumppad:
0x0: {  	(pc) =	sbr.rel $0x88, $3  }
0x1: {  	(tag) =	ssettag $0x0;
	lr =	simm.s32 $0x1  }
0x2: {  	[smem:$0x3F9E] =	sst lr;
	_ =	strace $0xD0000000  }
0x3: {  	_ = 	snop  }
0x4: {  	_ = 	snop  }
0x5: {  	_ = 	snop  }
0x6: {  	_ = 	snop  }
0x7: {  	_ = 	snop  }
__scs_overlays_trampoline_lowered:
0x8: {  	[smem:$0x3FAD] =	sst s0  }
0x9: {  	[smem:$0x3FAE] =	sst s1  }
0xa: {  	[smem:$0x3FAF] =	sst s2  }
0xb: {  	[smem:$0x3FB0] =	sst s3  }
0xc: {  	[smem:$0x3FB1] =	sst s4  }
0xd: {  	[smem:$0x3FB2] =	sst s5  }
0xe: {  	[smem:$0x3FB3] =	sst s6  }
0xf: {  	[smem:$0x3FB4] =	sst s7  }
0x10: {  	[smem:$0x3FB5] =	sst s8  }
0x11: {  	[smem:$0x3FB6] =	sst s9;
	s0 =	simm.s32 @!p0 $0x0  }
0x12: {  	s1 =	sld [smem:$0x3F9C];
	s0 =	simm.s32 @p0 $0x1  }
0x13: {  	[smem:$0x3FB7] =	sst s0;
	s0 =	simm.s32 @!p1 $0x0  }
0x14: {  	s2 =	sld [smem:$0x3F9B];
	s0 =	simm.s32 @p1 $0x1  }
0x15: {  	[smem:$0x3FB8] =	sst s0;
	s0 =	simm.s32 @!p2 $0x0  }
0x16: {  	s3 =	sld [smem:$0x3FDB];
	s0 =	simm.s32 @p2 $0x1  }
0x17: {  	s4 =	simm.s32 $0x1BF5;
	[smem:$0x3FBA] =	sst s0  }
0x18: {  	s0 =	sld [smem:$0x3F9D];
	_ =	swait.ge [sflag:s4], $0x0  }
0x19: {  	s7 =	sld [smem:$0x3F9E]  }
0x1a: {  	s8 =	sadd.s32 $0xFFFFE003, lr  }
0x1b: {  	s9 =	sadd.s32 $0xFFFFFEF7, lr;
	s5 =	simm.s32 $0xFFFFFFFF;
	p2 =	slt.u32 s8, $0xFFFFF086  }
0x1c: {  	p1 =	slt.u32 s9, $0xF7A;
	s5 =	simm.s32 @!p2 $0x0  }
0x1d: {  	s5 =	simm.s32 @p1 $0x1;
	p0 =	seq.s32 s7, s2  }
0x1e: {  	s7 =	smul.u32 @!p0 $0xF7A, s2;
	p2 =	seq.s32 @!p0 s5, $0x0  }
0x1f: {  	s9 =	smul.u32 $0xF7A, s1;
	s8 =	simm.s32 @!p0 $0x1BF5;
	p2 =	por !p2, p0  }
0x20: {  	[sflag:s8] =	ssyncset.s32 @!p0 $0xFFFFF086;
	s6 =	sadd.s32 @!p0 s3, s7;
	s7 =	simm.s32 @!p0 $0x108  }
0x21: {  	s3 =	sadd.s32 s3, s9;
	s6 =	sadd.s32 @!p0 $0x88, s6;
	s7 =	simm.s32 @p2 $0x1082  }
0x22: {  	[simem:s7], [sflag:s8] =	dma.local @!p0 [hbm:s6], $0xF7A  }
0x23: {  	s9 =	sor.u32 $0xD0000000, s2;
	s6 =	simm.s32 $0x108;
	_ =	swait.ge @!p0 [sflag:s8], $0x0  }
0x24: {  	s3 =	sadd.s32 $0x88, s3;
	s6 =	simm.s32 @!p1 $0x1082;
	[sflag:s4] =	ssyncset.s32 $0xFFFFF086  }
0x25: {  	[simem:s6], [sflag:s4] =	dma.local [hbm:s3], $0xF7A  }
0x26: {  	[smem:$0x3F9E] =	sst s1;
	(tag) =	ssettag s2;
	_ =	strace s9  }
0x27: {  	s1 =	sld [smem:$0x3FAE]  }
0x28: {  	s2 =	sld [smem:$0x3FAF]  }
0x29: {  	s4 =	sld [smem:$0x3FB1]  }
0x2a: {  	p0 =	seq.s32 s5, $0x0;
	s5 =	sld [smem:$0x3FB2]  }
0x2b: {  	s6 =	sld [smem:$0x3FB3]  }
0x2c: {  	s7 =	sld [smem:$0x3FB4]  }
0x2d: {  	s3 =	simm.s32 $0x108;
	s8 =	sld [smem:$0x3FB5]  }
0x2e: {  	s3 =	simm.s32 @!p0 $0x1082;
	s9 =	sld [smem:$0x3FB6]  }
0x2f: {  	lr =	sadd.s32 s0, s3;
	s0 =	sld [smem:$0x3FAD]  }
0x30: {  	s3 =	sld [smem:$0x3FB0]  }
0x31: {  	[smem:$0x3FB9] =	sst s10  }
0x32: {  	s10 =	sld [smem:$0x3FB7];
	_ =	sdelay $0x3  }
0x33: {  	p0 =	seq.s32 s10, $0x1;
	s10 =	sld [smem:$0x3FB9];
	_ =	sdelay $0x3  }
0x34: {  	[smem:$0x3FB9] =	sst s10  }
0x35: {  	s10 =	sld [smem:$0x3FB8];
	_ =	sdelay $0x3  }
0x36: {  	p1 =	seq.s32 s10, $0x1;
	s10 =	sld [smem:$0x3FB9];
	_ =	sdelay $0x3  }
0x37: {  	[smem:$0x3FB9] =	sst s10  }
0x38: {  	s10 =	sld [smem:$0x3FBA]  }
0x39: {  	_ = 	snop;
	(pc) =	sbr.ind lr, $3  }
0x3a: {  	_ = 	snop  }
0x3b: {  	_ = 	snop  }
0x3c: {  	p2 =	seq.s32 s10, $0x1;
	s10 =	sld [smem:$0x3FB9]  }
0x3d: {  	_ =	shalt  }
0x3e: {  	_ =	shalt  }
0x3f: {  	_ =	shalt  }
0x40: {  	_ =	shalt  }
0x41: {  	_ =	shalt  }
0x42: {  	_ =	shalt  }
0x43: {  	_ =	shalt  }
0x44: {  	_ =	shalt  }
0x45: {  	_ =	shalt  }
0x46: {  	_ =	shalt  }
0x47: {  	_ =	shalt  }
0x48: {  	_ =	shalt  }
0x49: {  	_ =	shalt  }
0x4a: {  	_ =	shalt  }
0x4b: {  	_ =	shalt  }
0x4c: {  	_ =	shalt  }
0x4d: {  	_ =	shalt  }
0x4e: {  	_ =	shalt  }
0x4f: {  	_ =	shalt  }
0x50: {  	_ =	shalt  }
0x51: {  	_ =	shalt  }
0x52: {  	_ =	shalt  }
0x53: {  	_ =	shalt  }
0x54: {  	_ =	shalt  }
0x55: {  	_ =	shalt  }
0x56: {  	_ =	shalt  }
0x57: {  	_ =	shalt  }
0x58: {  	_ =	shalt  }
0x59: {  	_ =	shalt  }
0x5a: {  	_ =	shalt  }
0x5b: {  	_ =	shalt  }
0x5c: {  	_ =	shalt  }
0x5d: {  	_ =	shalt  }
0x5e: {  	_ =	shalt  }
0x5f: {  	_ =	shalt  }
0x60: {  	_ =	shalt  }
0x61: {  	_ =	shalt  }
0x62: {  	_ =	shalt  }
0x63: {  	_ =	shalt  }
0x64: {  	_ =	shalt  }
0x65: {  	_ =	shalt  }
0x66: {  	_ =	shalt  }
0x67: {  	_ =	shalt  }
0x68: {  	_ =	shalt  }
0x69: {  	_ =	shalt  }
0x6a: {  	_ =	shalt  }
0x6b: {  	_ =	shalt  }
0x6c: {  	_ =	shalt  }
0x6d: {  	_ =	shalt  }
0x6e: {  	_ =	shalt  }
0x6f: {  	_ =	shalt  }
0x70: {  	_ =	shalt  }
0x71: {  	_ =	shalt  }
0x72: {  	_ =	shalt  }
0x73: {  	_ =	shalt  }
0x74: {  	_ =	shalt  }
0x75: {  	_ =	shalt  }
0x76: {  	_ =	shalt  }
0x77: {  	_ =	shalt  }
0x78: {  	_ =	shalt  }
0x79: {  	_ =	shalt  }
0x7a: {  	_ =	shalt  }
0x7b: {  	_ =	shalt  }
0x7c: {  	_ =	shalt  }
0x7d: {  	_ =	shalt  }
0x7e: {  	_ =	shalt  }
0x7f: {  	_ =	shalt  }
0x80: {  	_ =	shalt  }
0x81: {  	_ =	shalt  }
0x82: {  	_ =	shalt  }
0x83: {  	_ =	shalt  }
0x84: {  	_ =	shalt  }
0x85: {  	_ =	shalt  }
0x86: {  	_ =	shalt  }
0x87: {  	_ =	shalt  }
.Lfunc_end0:
.L_simem_size_0:
called_computation.2_lowered:
.L_overlay_start_0:
0x88: {  	s2 =	sld [smem:$0x3FD9]  }
0x89: {  	s3 =	sld [smem:$0x3FFE];
	_ =	sdelay $0x1  }
0x8a: {  	s1 =	srdreg.scid  }
0x8b: {  	s0 =	sand.u32 $0x1, s1  }
0x8c: {  	s17 =	sshll.u32 s0, $0xA;
	s2 =	sadd.s32 s3, s2  }
0x8d: {  	s2 =	sadd.s32 s2, s17  }
0x8e: {  	[smem:$0x3FC5] =	sst s2  }
0x8f: {  	_ = 	snop  }
0x90: {  	s2 =	sld [smem:$0x3FD0];
	(tm) =	ssettm $0x1  }
0x91: {  	s18 =	sld [smem:$0x3FFB];
	_ =	sdelay $0x3  }
0x92: {  	_ =	strace s18  }
0x93: {  	s3 =	sld [smem:$0x3FFC];
	_ =	sdelay $0x3  }
0x94: {  	_ =	strace s3  }
0x95: {  	s3 =	sld [smem:$0x3FFD];
	_ =	sdelay $0x3  }
0x96: {  	_ =	strace s3  }
0x97: {  	_ =	strace $0x8FFFFFFF  }
0x98: {  	s19 =	sld [smem:$0x3FDB];
	_ =	sdelay $0x1  }
0x99: {  	s4 =	simm.s32 $_scs_section_size  }
0x9a: {  	s5 =	simm.s32 $_size__tile_overlayer_lowered;
	s6 =	simm.s32 $_tile_overlayer_lowered  }
0x9b: {  	s22 =	simm.s32 $0x1BFF;
	s21 =	sshll.u32 s6, $0x1;
	s3 =	sadd.s32 s4, s19  }
0x9c: {  	s7 =	simm.s32 $0x0;
	s20 =	sshll.u32 s5, $0x1;
	s5 =	sadd.s32 s21, s3  }
0x9d: {  	[timem:s7], [sflag:s22] =	dma.local [hbm:s5], s20  }
0x9e: {  	_ =	swait.ge [sflag:s22], s20  }
0x9f: {  	s4 =	ssub.s32 $0x0, s20;
	[sflag:s22] =	ssyncset.done $0x0  }
0xa0: {  	[sflag:s22] =	ssyncadd.s32 s4;
	_ =	sdelay $0x1  }
0xa1: {  	s23 =	simm.s32 $0x1B8B  }
0xa2: {  	_ =	swait.ge [sflag:s23], $0x1  }
0xa3: {  	[sflag:s23] =	ssyncset.done $0x0  }
0xa4: {  	s25 =	simm.s32 $0x1B8E;
	s24 =	sld [smem:$0x3FFE];
	[sflag:s23] =	ssyncadd.s32 $0xFFFFFFFF  }
0xa5: {  	s26 =	simm.s32 $execute0_lowered;
	[smem:$0x3FD2] =	sst s25  }
0xa6: {  	s5 =	sshll.u32 s26, $0x1;
	_ =	strace $0x8000004C;
	[dreg:$0x1] =	wrdreg $0xFFFFFFFF  }
0xa7: {  	s28 =	simm.s32 $_size_execute0_lowered;
	s3 =	sadd.s32 s3, s5;
	[dreg:$0x0] =	wrdreg $0x0  }
0xa8: {  	s5 =	sshll.u32 s28, $0x1;
	[dreg:$0x2] =	wrdreg s3  }
0xa9: {  	[dreg:$0x3] =	wrdreg s5  }
0xaa: {  	[dreg:$0x4] =	wrdreg $0xC0  }
0xab: {  	_ =	task [dreg:s7], $0x5FFFF  }
0xac: {  	[dreg:$0x1] =	wrdreg $0xFFFFFFFF  }
0xad: {  	[dreg:$0x0] =	wrdreg $0x60  }
0xae: {  	[dreg:$0x2] =	wrdreg s24  }
0xaf: {  	[dreg:$0x3] =	wrdreg s2  }
0xb0: {  	[dreg:$0x4] =	wrdreg $0x9  }
0xb1: {  	_ =	task.clear_ibuf [dreg:s7], $0x5FFFF;
	_ =	strace $0x9000004C  }
0xb2: {  	s29 =	simm.s32 $0x9;
	_ =	strace $0x8000004E  }
0xb3: {  	_ =	swait.ge [sflag:s29], $0x1  }
0xb4: {  	[sflag:s29] =	ssyncadd.s32 $0xFFFFFFFF  }
0xb5: {  	_ =	strace $0x9000004E  }
0xb6: {  	_ =	sfence  }
0xb7: {  	s30 =	sld [smem:$0x0];
	_ =	sdelay $0x2  }
0xb8: {  	s31 =	sshll.u32 s1, $0xD;
	s1 =	sshrl.u32 s1, $0x2  }
0xb9: {  	s3 =	sand.u32 $0x4000, s31;
	s1 =	sadd.s32 s1, s30  }
0xba: {  	s0 =	sor.u32 s3, s0;
	s1 =	sshll.u32 s1, $0x11  }
0xbb: {  	s0 =	sor.u32 s1, s0  }
0xbc: {  	s0 =	sadd.s32 $0x8F2B, s0  }
0xbd: {  	[sflag:s0] =	ssyncadd.remote.s32 $0x1  }
0xbe: {  	_ =	sfence.sel $0xFFFF  }
0xbf: {  	[dreg:$0x0] =	wrdreg $0xFFFFFFFF;
	(pc) =	sbr.abs _section_cstart, $3  }
0xc0: {  	[dreg:$0x1] =	wrdreg $0xFFFFFFFF  }
0xc1: {  	_ =	task.clear_ibuf [dreg:s7], $0x2FFFF;
	_ =	strace $0x9FFFFFFF  }
0xc2: {  	(tm) =	ssettm $0x7FFFFFFF  }
0xc3: {  	_ =	shalt  }
tec
execute0_lowered:
.L_overlay_start_1:
0x0: {  	(tag) =	ssettag $0x1  }
0x1: {  	s1 =	srdreg.scid  }
0x2: {  	s0 =	stileid.u32;
	s14 =	sand.u32 $0x1, s1  }
0x3: {  	s15 =	rddreg [dreg:$0x0];
	s29 =	sshll.u32 s0, $0xA;
	s3 =	sshll.u32 s14, $0x9  }
0x4: {  	s2 =	rddreg [dreg:$0x1];
	s16 =	sor.u32 s3, s29  }
0x5: {  	s1 =	rddreg [dreg:$0x2];
	s3 =	simm.s32 $0x0;
	s4 =	sshrl.u32 s16, $0x3  }
0x6: {  	[smem:$0x7FF] =	sst s3;
	s4 =	sadd.s32 s4, s15  }
0x7: {  	_ =	strace $0x8000004D;
	s5 =	sadd.s32 $0x1800, s4;
	s4 =	simm.s32 $0x2  }
0x8: {  	[tilespmem:s3], [sflag:$0x2] =	stream.linear.gather [hbm4b:s5+s3], $0x200, $0x38;
	[tilespmem:$0x8200] =	vst v63  }
0x9: {  	_ =	swait.ge [sflag:s4], $0x200  }
0xa: {  	[sflag:s4] =	ssyncset.done $0x0  }
0xb: {  	s6 =	simm.s32 $0x80;
	s7 =	simm.s32 $0x200;
	[sflag:s4] =	ssyncadd.s32 $0xFFFFFE00  }
0xc: {  	[tilespmem:s7], [sflag:$0x1] =	stream.indirect.gather [hbm4b:s2+s6], $0x40, s3, s6, $0xb8;
	[tilespmem:$0x8200] =	vst v63  }
0xd: {  	s8 =	simm.s32 $0x2200  }
0xe: {  	[tilespmem:s8], [sflag:$0x1] =	stream.indirect.gather [hbm4b:s2+s6], $0x40, s6, s6, $0xb8;
	[tilespmem:$0x8200] =	vst v63  }
0xf: {  	s9 =	simm.s32 $0x100;
	s10 =	simm.s32 $0x4200  }
0x10: {  	[tilespmem:s10], [sflag:$0x1] =	stream.indirect.gather [hbm4b:s2+s6], $0x40, s9, s6, $0xb8;
	[tilespmem:$0x8200] =	vst v63  }
0x11: {  	s11 =	simm.s32 $0x180;
	s12 =	simm.s32 $0x6200;
	s13 =	simm.s32 $0x1  }
0x12: {  	[tilespmem:s12], [sflag:$0x1] =	stream.indirect.gather [hbm4b:s2+s6], $0x40, s11, s6, $0xb8;
	[tilespmem:$0x8200] =	vst v63  }
0x13: {  	_ =	swait.ge [sflag:s13], $0x2000  }
0x14: {  	[sflag:s13] =	ssyncset.done $0x0  }
0x15: {  	[sflag:s13] =	ssyncadd.s32 $0xFFFFE000  }
0x16: {  	_ =	swait.ge [sflag:s13], $0x2000  }
0x17: {  	[sflag:s13] =	ssyncset.done $0x0  }
0x18: {  	s14 =	ssub.s32 $0x2, s14;
	[sflag:s13] =	ssyncadd.s32 $0xFFFFE000  }
0x19: {  	s17 =	sshrl.u32 s14, $0x1;
	_ =	swait.ge [sflag:s13], $0x2000  }
0x1a: {  	s30 =	ssub.s32 s14, s17;
	[sflag:s13] =	ssyncset.done $0x0  }
0x1b: {  	s31 =	smax.u32 s30, $0x1;
	[sflag:s13] =	ssyncadd.s32 $0xFFFFE000  }
0x1c: {  	s16 =	sshll.u32 s16, $0x3;
	p0 =	sne.s32 s31, $0x1;
	_ =	swait.ge [sflag:s13], $0x2000  }
.Ltmp0:
0x1d: {  	s15 =	sadd.s32 s16, s15;
	[sflag:s13] =	ssyncset.done $0x0;
	(pc) =	sbr.rel @!p0 .LBB2_2-.Ltmp0, $4  }
0x1e: {  	s14 =	sadd.s32 $0x2000, s15;
	[sflag:s13] =	ssyncadd.s32 $0xFFFFE000  }
0x1f: {  	[hbm4b:s14+s3] =	stream.linear.scatter [tilespmem:s7], [sflag:$0x2], $0x8000, $0x38;
	[tilespmem:$0x8200] =	vst v63  }
0x20: {  	_ =	swait.ge [sflag:s4], $0x8000  }
0x21: {  	s15 =	sadd.s32 $0xFFFFFFFF, s31;
	[sflag:s4] =	ssyncset.done $0x0  }
.LBB2_1:
0x22: {  	p0 =	sne.s32 s15, $0x1;
	s15 =	sadd.s32 $0xFFFFFFFF, s15;
	[sflag:s4] =	ssyncadd.s32 $0xFFFF8000  }
0x23: {  	[tilespmem:s3], [sflag:$0x2] =	stream.linear.gather [hbm4b:s5+s3], $0x200, $0x38;
	[tilespmem:$0x8200] =	vst v63  }
0x24: {  	_ =	swait.ge [sflag:s4], $0x200  }
0x25: {  	[sflag:s4] =	ssyncset.done $0x0  }
0x26: {  	[sflag:s4] =	ssyncadd.s32 $0xFFFFFE00  }
0x27: {  	[tilespmem:s7], [sflag:$0x1] =	stream.indirect.gather [hbm4b:s2+s6], $0x40, s3, s6, $0xb8;
	[tilespmem:$0x8200] =	vst v63  }
0x28: {  	_ = 	snop  }
0x29: {  	[tilespmem:s8], [sflag:$0x1] =	stream.indirect.gather [hbm4b:s2+s6], $0x40, s6, s6, $0xb8;
	[tilespmem:$0x8200] =	vst v63  }
0x2a: {  	_ = 	snop  }
0x2b: {  	[tilespmem:s10], [sflag:$0x1] =	stream.indirect.gather [hbm4b:s2+s6], $0x40, s9, s6, $0xb8;
	[tilespmem:$0x8200] =	vst v63  }
0x2c: {  	_ = 	snop  }
0x2d: {  	[tilespmem:s12], [sflag:$0x1] =	stream.indirect.gather [hbm4b:s2+s6], $0x40, s11, s6, $0xb8;
	[tilespmem:$0x8200] =	vst v63  }
0x2e: {  	_ =	swait.ge [sflag:s13], $0x2000  }
0x2f: {  	[sflag:s13] =	ssyncset.done $0x0  }
0x30: {  	[sflag:s13] =	ssyncadd.s32 $0xFFFFE000  }
0x31: {  	_ =	swait.ge [sflag:s13], $0x2000  }
0x32: {  	[sflag:s13] =	ssyncset.done $0x0  }
0x33: {  	[sflag:s13] =	ssyncadd.s32 $0xFFFFE000  }
0x34: {  	_ =	swait.ge [sflag:s13], $0x2000  }
0x35: {  	[sflag:s13] =	ssyncset.done $0x0  }
0x36: {  	[sflag:s13] =	ssyncadd.s32 $0xFFFFE000  }
0x37: {  	_ =	swait.ge [sflag:s13], $0x2000  }
.Ltmp1:
0x38: {  	[sflag:s13] =	ssyncset.done $0x0;
	(pc) =	sbr.rel @p0 .LBB2_1-.Ltmp1, $4  }
0x39: {  	[sflag:s13] =	ssyncadd.s32 $0xFFFFE000  }
0x3a: {  	[hbm4b:s14+s3] =	stream.linear.scatter [tilespmem:s7], [sflag:$0x2], $0x8000, $0x38;
	[tilespmem:$0x8200] =	vst v63  }
0x3b: {  	_ =	swait.ge [sflag:s4], $0x8000  }
0x3c: {  	[sflag:s4] =	ssyncset.done $0x0  }
.LBB2_2:
0x3d: {  	[sflag:s4] =	ssyncadd.s32 $0xFFFF8000  }
0x3e: {  	_ =	sfence.sel $0x180000  }
0x3f: {  	[bflag:$0x0] =	sbarrier.arrive $0xFFFF  }
0x40: {  	p0 =	sne.s32 s0, $0x0;
	_ =	strace $0x9000004D  }
0x41: {  	s0 =	sadd.s32 @!p0 $0x100000, s1;
	[bflag:$0x2] =	sbarrier.arrive $0xFFFF  }
0x42: {  	[sflag:s0] =	ssyncadd.tile.s32 @!p0 $0x1;
	_ =	shalt  }
.Lfunc_end2:
_tile_overlayer_lowered:
.L_overlay_start_2:
0x43: {  	(tag) =	ssettag $0x2  }
0x44: {  	s0 =	rddreg [dreg:$0x0];
	s2 =	stileid.u32  }
0x45: {  	s1 =	rddreg [dreg:$0x1];
	p0 =	sne.s32 s2, $0x0  }
0x46: {  	s3 =	rddreg [dreg:$0x2];
	[bflag:$0x3] =	sbarrier.arrive $0xFFFF;
	s2 =	simm.s32 @!p0 $0x1C02  }
0x47: {  	[timem:s3], [sflag:s2] =	dma.local @!p0 [hbm:s0], s1  }
0x48: {  	s0 =	simm.s32 @!p0 $0x2  }
0x49: {  	_ =	swait.ge @!p0 [sflag:s0], s1  }
0x4a: {  	s1 =	ssub.s32 @!p0 $0x0, s1;
	[sflag:s0] =	ssyncset.done @!p0 $0x0  }
0x4b: {  	[sflag:s0] =	ssyncadd.s32 @!p0 s1  }
0x4c: {  	[bflag:$0x3] =	sbarrier.arrive $0xFFFF  }
0x4d: {  	_ =	shalt  }

</sc_bundles>
